<compile_context>
chip_gen: v7x
topology: tpu7x:2x2x1
jax: 0.10.2.dev20260603
libtpu: 0.0.44.dev20260713+nightly
codegen_flags: <defaults>
</compile_context>

<pallas_src>
import jax
import jax.numpy as jnp
from jax.experimental import pallas as pl


K = 20
ROWS_PER_BLOCK = 256


def _nv_kernel(e1_ref, w1_ref, b1_ref, e2_ref, w2_ref, b2_ref,
               nv1_ref, nv2_ref):
    dn = (((1,), (1,)), ((), ()))
    x1 = jax.lax.dot_general(e1_ref[...], w1_ref[...], dn,
                             preferred_element_type=jnp.float32)
    x2 = jax.lax.dot_general(e2_ref[...], w2_ref[...], dn,
                             preferred_element_type=jnp.float32)
    nv1_ref[...] = jnp.tanh(x1 + b1_ref[...])
    nv2_ref[...] = jnp.tanh(x2 + b2_ref[...])


def _ce(a, b):
    return jnp.maximum(a, b), jnp.minimum(a, b)


def _merge22(a, b):
    c0, t0 = _ce(a[0], b[0])
    t1, c3 = _ce(a[1], b[1])
    c1, c2 = _ce(t0, t1)
    return (c0, c1, c2, c3)


def _merge44(a, b):
    e = _merge22((a[0], a[2]), (b[0], b[2]))
    o = _merge22((a[1], a[3]), (b[1], b[3]))
    c1, c2 = _ce(e[1], o[0])
    c3, c4 = _ce(e[2], o[1])
    c5, c6 = _ce(e[3], o[2])
    return (e[0], c1, c2, c3, c4, c5, c6, o[3])


def _merge88_top8(a, b, cleanup):
    d = [jnp.maximum(a[i], b[7 - i]) for i in range(8)]
    if not cleanup:
        return tuple(d)
    for dist in (4, 2, 1):
        nd = list(d)
        for i in range(8):
            if (i % (dist * 2)) < dist:
                nd[i], nd[i + dist] = _ce(d[i], d[i + dist])
        d = nd
    return tuple(d)


def _adj_kernel(x1_ref, x2_ref, nv1_ref, nv2_ref, out_ref):
    dn = (((1,), (1,)), ((), ()))
    lhs = jnp.concatenate([x1_ref[...], -x2_ref[...]], axis=1)
    rhs = jnp.concatenate([nv2_ref[...], nv1_ref[...]], axis=1)
    a = jax.lax.dot_general(lhs, rhs, dn, preferred_element_type=jnp.float32)
    adj = jnp.maximum(jnp.tanh(a), 0.0)

    r, n = adj.shape
    slabs = 8
    width = n // slabs

    t = [adj[:, i * width:(i + 1) * width] for i in range(slabs)]
    for (i, j) in ((0, 1), (2, 3), (4, 5), (6, 7),
                   (0, 2), (1, 3), (4, 6), (5, 7),
                   (1, 2), (5, 6),
                   (0, 4), (1, 5), (2, 6), (3, 7),
                   (2, 4), (3, 5),
                   (1, 2), (3, 4), (5, 6)):
        t[i], t[j] = _ce(t[i], t[j])

    while width > 64:
        half = width // 2
        a = tuple(x[:, :half] for x in t)
        b = tuple(x[:, half:] for x in t)
        t = list(_merge88_top8(a, b, cleanup=half > 64))
        width = half

    cand = jnp.concatenate(t, axis=1)

    cur = jnp.full((r, 1), jnp.inf, jnp.float32)
    for _ in range(K):
        m = jnp.where(cand < cur, cand, -1.0)
        cur = jnp.max(m, axis=1, keepdims=True)
    out_ref[...] = jnp.where(adj >= cur, adj, 0.0)


def kernel(idx, E1, E2, W1, b1, W2, b2):
    n = idx.shape[0]
    dim = E1.shape[1]
    e1 = jnp.take(E1, idx, axis=0)
    e2 = jnp.take(E2, idx, axis=0)

    nv1, nv2 = pl.pallas_call(
        _nv_kernel,
        out_shape=[
            jax.ShapeDtypeStruct((n, dim), jnp.float32),
            jax.ShapeDtypeStruct((n, dim), jnp.float32),
        ],
    )(e1, W1, b1.reshape(1, dim), e2, W2, b2.reshape(1, dim))

    r = min(ROWS_PER_BLOCK, n)
    out = pl.pallas_call(
        _adj_kernel,
        grid=(n // r,),
        in_specs=[
            pl.BlockSpec((r, dim), lambda i: (i, 0)),
            pl.BlockSpec((r, dim), lambda i: (i, 0)),
            pl.BlockSpec((n, dim), lambda i: (0, 0)),
            pl.BlockSpec((n, dim), lambda i: (0, 0)),
        ],
        out_specs=pl.BlockSpec((r, n), lambda i: (i, 0)),
        out_shape=jax.ShapeDtypeStruct((n, n), jnp.float32),
    )(nv1, nv2, nv1, nv2)
    return out

# --- scband reference (transcript-rebuilt; emitter-appended) ---
"""Pipeline reference for scband-graph-constructor-23776938950980 (READ-ONLY COPY).

The authoritative reference and input builder live on the scoring server;
editing this copy changes nothing except your own understanding.
"""

import jax, jax.numpy as jnp
import numpy as np

N = 8192
DIM = 16
K = 20
ALPHA = 1.0

def setup_inputs(seed: int = 0) -> dict:
    key = jax.random.key(seed)
    ks = jax.random.split(key, 6)
    idx = jnp.arange(N, dtype=jnp.int32)
    E1 = jax.random.normal(ks[0], (N, DIM), dtype=jnp.float32) * 0.1
    E2 = jax.random.normal(ks[1], (N, DIM), dtype=jnp.float32) * 0.1
    lim = float(np.sqrt(6.0 / (DIM + DIM)))
    W1 = jax.random.uniform(ks[2], (DIM, DIM), dtype=jnp.float32, minval=-lim, maxval=lim)
    b1 = jax.random.uniform(ks[3], (DIM,), dtype=jnp.float32, minval=0.0, maxval=1.0)
    W2 = jax.random.uniform(ks[4], (DIM, DIM), dtype=jnp.float32, minval=-lim, maxval=lim)
    b2 = jax.random.uniform(ks[5], (DIM,), dtype=jnp.float32, minval=0.0, maxval=1.0)
    return {"idx": idx, "E1": E1, "E2": E2, "W1": W1, "b1": b1, "W2": W2, "b2": b2}

def reference(idx, E1, E2, W1, b1, W2, b2):
    # embedding lookup (gather)
    nodevec1 = jnp.take(E1, idx, axis=0)
    nodevec2 = jnp.take(E2, idx, axis=0)
    # linear + tanh saturation
    nodevec1 = jnp.tanh(ALPHA * (nodevec1 @ W1.T + b1))
    nodevec2 = jnp.tanh(ALPHA * (nodevec2 @ W2.T + b2))
    # asymmetric similarity
    a = nodevec1 @ nodevec2.T - nodevec2 @ nodevec1.T
    A = jax.nn.relu(jnp.tanh(ALPHA * a))
    # per-row top-k sparsification: mask.scatter_(1, t1, s1.fill_(1))
    n = idx.shape[0]
    _, t1 = jax.lax.top_k(A, K)
    mask = jnp.zeros((n, n), dtype=A.dtype).at[jnp.arange(n)[:, None], t1].set(1.0)
    A = A * mask
    return A

if __name__ == "__main__":
    import jax
    _d = setup_inputs()
    print(jax.jit(kernel)(*tuple(_d.values())))

</pallas_src>

<mosaic_0001>
module attributes {stable_mosaic.version = 14 : i64} {
  func.func @_nv_kernel(%arg0: memref<8192x16xf32, #tpu.memory_space<vmem>>, %arg1: memref<16x16xf32, #tpu.memory_space<vmem>>, %arg2: memref<1x16xf32, #tpu.memory_space<vmem>>, %arg3: memref<8192x16xf32, #tpu.memory_space<vmem>>, %arg4: memref<16x16xf32, #tpu.memory_space<vmem>>, %arg5: memref<1x16xf32, #tpu.memory_space<vmem>>, %arg6: memref<8192x16xf32, #tpu.memory_space<vmem>>, %arg7: memref<8192x16xf32, #tpu.memory_space<vmem>>) attributes {dimension_semantics = [], scalar_prefetch = 0 : i64, scratch_operands = 0 : i64, tpu.core_type = #tpu.core_type<tc>} {
    %get3A = arith.constant 0 : index
    %get3A_0 = arith.constant 0 : index
    %get3A_1 = vector.load %arg0[%get3A, %get3A_0] : memref<8192x16xf32, #tpu.memory_space<vmem>>, vector<8192x16xf32>
    %get3A_2 = arith.constant 0 : index
    %get3A_3 = arith.constant 0 : index
    %get3A_4 = vector.load %arg1[%get3A_2, %get3A_3] : memref<16x16xf32, #tpu.memory_space<vmem>>, vector<16x16xf32>
    %dot_general3A = arith.constant dense<0.000000e+00> : vector<8192x16xf32>
    %dot_general3A_5 = tpu.matmul %get3A_1, %get3A_4, %dot_general3A {dimension_numbers = #tpu.dot_dimension_numbers<[1], [1], [0], [0], [0, 0, 1, 0], [], []>, transpose_lhs_hint = false} : vector<8192x16xf32>, vector<16x16xf32>, vector<8192x16xf32> -> vector<8192x16xf32>
    %get3A_6 = arith.constant 0 : index
    %get3A_7 = arith.constant 0 : index
    %get3A_8 = vector.load %arg3[%get3A_6, %get3A_7] : memref<8192x16xf32, #tpu.memory_space<vmem>>, vector<8192x16xf32>
    %get3A_9 = arith.constant 0 : index
    %get3A_10 = arith.constant 0 : index
    %get3A_11 = vector.load %arg4[%get3A_9, %get3A_10] : memref<16x16xf32, #tpu.memory_space<vmem>>, vector<16x16xf32>
    %dot_general3A_12 = arith.constant dense<0.000000e+00> : vector<8192x16xf32>
    %dot_general3A_13 = tpu.matmul %get3A_8, %get3A_11, %dot_general3A_12 {dimension_numbers = #tpu.dot_dimension_numbers<[1], [1], [0], [0], [0, 0, 1, 0], [], []>, transpose_lhs_hint = false} : vector<8192x16xf32>, vector<16x16xf32>, vector<8192x16xf32> -> vector<8192x16xf32>
    %get3A_14 = arith.constant 0 : index
    %get3A_15 = arith.constant 0 : index
    %get3A_16 = vector.load %arg2[%get3A_14, %get3A_15] : memref<1x16xf32, #tpu.memory_space<vmem>>, vector<1x16xf32>
    %add3A = vector.broadcast %get3A_16 : vector<1x16xf32> to vector<8192x16xf32>
    %add3A_17 = arith.addf %dot_general3A_5, %add3A : vector<8192x16xf32>
    %tanh3A = math.tanh %add3A_17 : vector<8192x16xf32>
    %swap3A = arith.constant 0 : index
    %swap3A_18 = arith.constant 0 : index
    %swap3A_19 = vector.load %arg6[%swap3A, %swap3A_18] : memref<8192x16xf32, #tpu.memory_space<vmem>>, vector<8192x16xf32>
    tpu.vector_store %arg6[%swap3A, %swap3A_18], %tanh3A {strides = array<i32>} : memref<8192x16xf32, #tpu.memory_space<vmem>>, vector<8192x16xf32>,
    %get3A_20 = arith.constant 0 : index
    %get3A_21 = arith.constant 0 : index
    %get3A_22 = vector.load %arg5[%get3A_20, %get3A_21] : memref<1x16xf32, #tpu.memory_space<vmem>>, vector<1x16xf32>
    %add3A_23 = vector.broadcast %get3A_22 : vector<1x16xf32> to vector<8192x16xf32>
    %add3A_24 = arith.addf %dot_general3A_13, %add3A_23 : vector<8192x16xf32>
    %tanh3A_25 = math.tanh %add3A_24 : vector<8192x16xf32>
    %swap3A_26 = arith.constant 0 : index
    %swap3A_27 = arith.constant 0 : index
    %swap3A_28 = vector.load %arg7[%swap3A_26, %swap3A_27] : memref<8192x16xf32, #tpu.memory_space<vmem>>, vector<8192x16xf32>
    tpu.vector_store %arg7[%swap3A_26, %swap3A_27], %tanh3A_25 {strides = array<i32>} : memref<8192x16xf32, #tpu.memory_space<vmem>>, vector<8192x16xf32>,
    return
  }
}

module attributes {stable_mosaic.version = 14 : i64} {
  func.func @_adj_kernel(%arg0: i32, %arg1: memref<256x16xf32, #tpu.memory_space<vmem>>, %arg2: memref<256x16xf32, #tpu.memory_space<vmem>>, %arg3: memref<8192x16xf32, #tpu.memory_space<vmem>>, %arg4: memref<8192x16xf32, #tpu.memory_space<vmem>>, %arg5: memref<256x8192xf32, #tpu.memory_space<vmem>>) attributes {dimension_semantics = [#tpu.dimension_semantics<arbitrary>], iteration_bounds = array<i64: 32>, scalar_prefetch = 0 : i64, scratch_operands = 0 : i64, tpu.core_type = #tpu.core_type<tc>, window_params = [{transform_indices = @transform_0, window_bounds = array<i64: 256, 16>}, {transform_indices = @transform_1, window_bounds = array<i64: 256, 16>}, {pipeline_mode = #tpu.pipeline_mode<synchronous>, transform_indices = @transform_2, window_bounds = array<i64: 8192, 16>}, {pipeline_mode = #tpu.pipeline_mode<synchronous>, transform_indices = @transform_3, window_bounds = array<i64: 8192, 16>}, {transform_indices = @transform_4, window_bounds = array<i64: 256, 8192>}]} {
    %get3A = arith.constant 0 : index
    %get3A_0 = arith.constant 0 : index
    %get3A_1 = vector.load %arg1[%get3A, %get3A_0] : memref<256x16xf32, #tpu.memory_space<vmem>>, vector<256x16xf32>
    %get3A_2 = arith.constant 0 : index
    %get3A_3 = arith.constant 0 : index
    %get3A_4 = vector.load %arg2[%get3A_2, %get3A_3] : memref<256x16xf32, #tpu.memory_space<vmem>>, vector<256x16xf32>
    %neg3A = arith.constant 0.000000e+00 : f32
    %neg3A_5 = vector.broadcast %neg3A : f32 to vector<256x16xf32>
    %neg3A_6 = arith.subf %neg3A_5, %get3A_4 : vector<256x16xf32>
    %concatenate3A = tpu.concatenate %get3A_1, %neg3A_6 in 1 : vector<256x16xf32>, vector<256x16xf32> -> vector<256x32xf32>
    %get3A_7 = arith.constant 0 : index
    %get3A_8 = arith.constant 0 : index
    %get3A_9 = vector.load %arg4[%get3A_7, %get3A_8] : memref<8192x16xf32, #tpu.memory_space<vmem>>, vector<8192x16xf32>
    %get3A_10 = arith.constant 0 : index
    %get3A_11 = arith.constant 0 : index
    %get3A_12 = vector.load %arg3[%get3A_10, %get3A_11] : memref<8192x16xf32, #tpu.memory_space<vmem>>, vector<8192x16xf32>
    %concatenate3A_13 = tpu.concatenate %get3A_9, %get3A_12 in 1 : vector<8192x16xf32>, vector<8192x16xf32> -> vector<8192x32xf32>
    %dot_general3A = arith.constant dense<0.000000e+00> : vector<256x8192xf32>
    %dot_general3A_14 = tpu.matmul %concatenate3A, %concatenate3A_13, %dot_general3A {dimension_numbers = #tpu.dot_dimension_numbers<[1], [1], [0], [0], [0, 0, 1, 0], [], []>, transpose_lhs_hint = false} : vector<256x32xf32>, vector<8192x32xf32>, vector<256x8192xf32> -> vector<256x8192xf32>
    %tanh3A = math.tanh %dot_general3A_14 : vector<256x8192xf32>
    %max3A = arith.constant 0.000000e+00 : f32
    %max3A_15 = vector.broadcast %max3A : f32 to vector<256x8192xf32>
    %max3A_16 = arith.maximumf %tanh3A, %max3A_15 : vector<256x8192xf32>
    %slice3A = vector.extract_strided_slice %max3A_16 {offsets = [0, 0], sizes = [256, 1024], strides = [1, 1]} : vector<256x8192xf32> to vector<256x1024xf32>
    %slice3A_17 = vector.extract_strided_slice %max3A_16 {offsets = [0, 1024], sizes = [256, 1024], strides = [1, 1]} : vector<256x8192xf32> to vector<256x1024xf32>
    %slice3A_18 = vector.extract_strided_slice %max3A_16 {offsets = [0, 2048], sizes = [256, 1024], strides = [1, 1]} : vector<256x8192xf32> to vector<256x1024xf32>
    %slice3A_19 = vector.extract_strided_slice %max3A_16 {offsets = [0, 3072], sizes = [256, 1024], strides = [1, 1]} : vector<256x8192xf32> to vector<256x1024xf32>
    %slice3A_20 = vector.extract_strided_slice %max3A_16 {offsets = [0, 4096], sizes = [256, 1024], strides = [1, 1]} : vector<256x8192xf32> to vector<256x1024xf32>
    %slice3A_21 = vector.extract_strided_slice %max3A_16 {offsets = [0, 5120], sizes = [256, 1024], strides = [1, 1]} : vector<256x8192xf32> to vector<256x1024xf32>
    %slice3A_22 = vector.extract_strided_slice %max3A_16 {offsets = [0, 6144], sizes = [256, 1024], strides = [1, 1]} : vector<256x8192xf32> to vector<256x1024xf32>
    %slice3A_23 = vector.extract_strided_slice %max3A_16 {offsets = [0, 7168], sizes = [256, 1024], strides = [1, 1]} : vector<256x8192xf32> to vector<256x1024xf32>
    %max3A_24 = arith.maximumf %slice3A, %slice3A_17 : vector<256x1024xf32>
    %min3A = arith.minimumf %slice3A, %slice3A_17 : vector<256x1024xf32>
    %max3A_25 = arith.maximumf %slice3A_18, %slice3A_19 : vector<256x1024xf32>
    %min3A_26 = arith.minimumf %slice3A_18, %slice3A_19 : vector<256x1024xf32>
    %max3A_27 = arith.maximumf %slice3A_20, %slice3A_21 : vector<256x1024xf32>
    %min3A_28 = arith.minimumf %slice3A_20, %slice3A_21 : vector<256x1024xf32>
    %max3A_29 = arith.maximumf %slice3A_22, %slice3A_23 : vector<256x1024xf32>
    %min3A_30 = arith.minimumf %slice3A_22, %slice3A_23 : vector<256x1024xf32>
    %max3A_31 = arith.maximumf %max3A_24, %max3A_25 : vector<256x1024xf32>
    %min3A_32 = arith.minimumf %max3A_24, %max3A_25 : vector<256x1024xf32>
    %max3A_33 = arith.maximumf %min3A, %min3A_26 : vector<256x1024xf32>
    %min3A_34 = arith.minimumf %min3A, %min3A_26 : vector<256x1024xf32>
    %max3A_35 = arith.maximumf %max3A_27, %max3A_29 : vector<256x1024xf32>
    %min3A_36 = arith.minimumf %max3A_27, %max3A_29 : vector<256x1024xf32>
    %max3A_37 = arith.maximumf %min3A_28, %min3A_30 : vector<256x1024xf32>
    %min3A_38 = arith.minimumf %min3A_28, %min3A_30 : vector<256x1024xf32>
    %max3A_39 = arith.maximumf %max3A_33, %min3A_32 : vector<256x1024xf32>
    %min3A_40 = arith.minimumf %max3A_33, %min3A_32 : vector<256x1024xf32>
    %max3A_41 = arith.maximumf %max3A_37, %min3A_36 : vector<256x1024xf32>
    %min3A_42 = arith.minimumf %max3A_37, %min3A_36 : vector<256x1024xf32>
    %max3A_43 = arith.maximumf %max3A_31, %max3A_35 : vector<256x1024xf32>
    %min3A_44 = arith.minimumf %max3A_31, %max3A_35 : vector<256x1024xf32>
    %max3A_45 = arith.maximumf %max3A_39, %max3A_41 : vector<256x1024xf32>
    %min3A_46 = arith.minimumf %max3A_39, %max3A_41 : vector<256x1024xf32>
    %max3A_47 = arith.maximumf %min3A_40, %min3A_42 : vector<256x1024xf32>
    %min3A_48 = arith.minimumf %min3A_40, %min3A_42 : vector<256x1024xf32>
    %max3A_49 = arith.maximumf %min3A_34, %min3A_38 : vector<256x1024xf32>
    %min3A_50 = arith.minimumf %min3A_34, %min3A_38 : vector<256x1024xf32>
    %max3A_51 = arith.maximumf %max3A_47, %min3A_44 : vector<256x1024xf32>
    %min3A_52 = arith.minimumf %max3A_47, %min3A_44 : vector<256x1024xf32>
    %max3A_53 = arith.maximumf %max3A_49, %min3A_46 : vector<256x1024xf32>
    %min3A_54 = arith.minimumf %max3A_49, %min3A_46 : vector<256x1024xf32>
    %max3A_55 = arith.maximumf %max3A_45, %max3A_51 : vector<256x1024xf32>
    %min3A_56 = arith.minimumf %max3A_45, %max3A_51 : vector<256x1024xf32>
    %max3A_57 = arith.maximumf %max3A_53, %min3A_52 : vector<256x1024xf32>
    %min3A_58 = arith.minimumf %max3A_53, %min3A_52 : vector<256x1024xf32>
    %max3A_59 = arith.maximumf %min3A_54, %min3A_48 : vector<256x1024xf32>
    %min3A_60 = arith.minimumf %min3A_54, %min3A_48 : vector<256x1024xf32>
    %slice3A_61 = vector.extract_strided_slice %max3A_43 {offsets = [0, 0], sizes = [256, 512], strides = [1, 1]} : vector<256x1024xf32> to vector<256x512xf32>
    %slice3A_62 = vector.extract_strided_slice %max3A_55 {offsets = [0, 0], sizes = [256, 512], strides = [1, 1]} : vector<256x1024xf32> to vector<256x512xf32>
    %slice3A_63 = vector.extract_strided_slice %min3A_56 {offsets = [0, 0], sizes = [256, 512], strides = [1, 1]} : vector<256x1024xf32> to vector<256x512xf32>
    %slice3A_64 = vector.extract_strided_slice %max3A_57 {offsets = [0, 0], sizes = [256, 512], strides = [1, 1]} : vector<256x1024xf32> to vector<256x512xf32>
    %slice3A_65 = vector.extract_strided_slice %min3A_58 {offsets = [0, 0], sizes = [256, 512], strides = [1, 1]} : vector<256x1024xf32> to vector<256x512xf32>
    %slice3A_66 = vector.extract_strided_slice %max3A_59 {offsets = [0, 0], sizes = [256, 512], strides = [1, 1]} : vector<256x1024xf32> to vector<256x512xf32>
    %slice3A_67 = vector.extract_strided_slice %min3A_60 {offsets = [0, 0], sizes = [256, 512], strides = [1, 1]} : vector<256x1024xf32> to vector<256x512xf32>
    %slice3A_68 = vector.extract_strided_slice %min3A_50 {offsets = [0, 0], sizes = [256, 512], strides = [1, 1]} : vector<256x1024xf32> to vector<256x512xf32>
    %slice3A_69 = vector.extract_strided_slice %max3A_43 {offsets = [0, 512], sizes = [256, 512], strides = [1, 1]} : vector<256x1024xf32> to vector<256x512xf32>
    %slice3A_70 = vector.extract_strided_slice %max3A_55 {offsets = [0, 512], sizes = [256, 512], strides = [1, 1]} : vector<256x1024xf32> to vector<256x512xf32>
    %slice3A_71 = vector.extract_strided_slice %min3A_56 {offsets = [0, 512], sizes = [256, 512], strides = [1, 1]} : vector<256x1024xf32> to vector<256x512xf32>
    %slice3A_72 = vector.extract_strided_slice %max3A_57 {offsets = [0, 512], sizes = [256, 512], strides = [1, 1]} : vector<256x1024xf32> to vector<256x512xf32>
    %slice3A_73 = vector.extract_strided_slice %min3A_58 {offsets = [0, 512], sizes = [256, 512], strides = [1, 1]} : vector<256x1024xf32> to vector<256x512xf32>
    %slice3A_74 = vector.extract_strided_slice %max3A_59 {offsets = [0, 512], sizes = [256, 512], strides = [1, 1]} : vector<256x1024xf32> to vector<256x512xf32>
    %slice3A_75 = vector.extract_strided_slice %min3A_60 {offsets = [0, 512], sizes = [256, 512], strides = [1, 1]} : vector<256x1024xf32> to vector<256x512xf32>
    %slice3A_76 = vector.extract_strided_slice %min3A_50 {offsets = [0, 512], sizes = [256, 512], strides = [1, 1]} : vector<256x1024xf32> to vector<256x512xf32>
    %max3A_77 = arith.maximumf %slice3A_61, %slice3A_76 : vector<256x512xf32>
    %max3A_78 = arith.maximumf %slice3A_62, %slice3A_75 : vector<256x512xf32>
    %max3A_79 = arith.maximumf %slice3A_63, %slice3A_74 : vector<256x512xf32>
    %max3A_80 = arith.maximumf %slice3A_64, %slice3A_73 : vector<256x512xf32>
    %max3A_81 = arith.maximumf %slice3A_65, %slice3A_72 : vector<256x512xf32>
    %max3A_82 = arith.maximumf %slice3A_66, %slice3A_71 : vector<256x512xf32>
    %max3A_83 = arith.maximumf %slice3A_67, %slice3A_70 : vector<256x512xf32>
    %max3A_84 = arith.maximumf %slice3A_68, %slice3A_69 : vector<256x512xf32>
    %max3A_85 = arith.maximumf %max3A_77, %max3A_81 : vector<256x512xf32>
    %min3A_86 = arith.minimumf %max3A_77, %max3A_81 : vector<256x512xf32>
    %max3A_87 = arith.maximumf %max3A_78, %max3A_82 : vector<256x512xf32>
    %min3A_88 = arith.minimumf %max3A_78, %max3A_82 : vector<256x512xf32>
    %max3A_89 = arith.maximumf %max3A_79, %max3A_83 : vector<256x512xf32>
    %min3A_90 = arith.minimumf %max3A_79, %max3A_83 : vector<256x512xf32>
    %max3A_91 = arith.maximumf %max3A_80, %max3A_84 : vector<256x512xf32>
    %min3A_92 = arith.minimumf %max3A_80, %max3A_84 : vector<256x512xf32>
    %max3A_93 = arith.maximumf %max3A_85, %max3A_89 : vector<256x512xf32>
    %min3A_94 = arith.minimumf %max3A_85, %max3A_89 : vector<256x512xf32>
    %max3A_95 = arith.maximumf %max3A_87, %max3A_91 : vector<256x512xf32>
    %min3A_96 = arith.minimumf %max3A_87, %max3A_91 : vector<256x512xf32>
    %max3A_97 = arith.maximumf %min3A_86, %min3A_90 : vector<256x512xf32>
    %min3A_98 = arith.minimumf %min3A_86, %min3A_90 : vector<256x512xf32>
    %max3A_99 = arith.maximumf %min3A_88, %min3A_92 : vector<256x512xf32>
    %min3A_100 = arith.minimumf %min3A_88, %min3A_92 : vector<256x512xf32>
    %max3A_101 = arith.maximumf %max3A_93, %max3A_95 : vector<256x512xf32>
    %min3A_102 = arith.minimumf %max3A_93, %max3A_95 : vector<256x512xf32>
    %max3A_103 = arith.maximumf %min3A_94, %min3A_96 : vector<256x512xf32>
    %min3A_104 = arith.minimumf %min3A_94, %min3A_96 : vector<256x512xf32>
    %max3A_105 = arith.maximumf %max3A_97, %max3A_99 : vector<256x512xf32>
    %min3A_106 = arith.minimumf %max3A_97, %max3A_99 : vector<256x512xf32>
    %max3A_107 = arith.maximumf %min3A_98, %min3A_100 : vector<256x512xf32>
    %min3A_108 = arith.minimumf %min3A_98, %min3A_100 : vector<256x512xf32>
    %slice3A_109 = vector.extract_strided_slice %max3A_101 {offsets = [0, 0], sizes = [256, 256], strides = [1, 1]} : vector<256x512xf32> to vector<256x256xf32>
    %slice3A_110 = vector.extract_strided_slice %min3A_102 {offsets = [0, 0], sizes = [256, 256], strides = [1, 1]} : vector<256x512xf32> to vector<256x256xf32>
    %slice3A_111 = vector.extract_strided_slice %max3A_103 {offsets = [0, 0], sizes = [256, 256], strides = [1, 1]} : vector<256x512xf32> to vector<256x256xf32>
    %slice3A_112 = vector.extract_strided_slice %min3A_104 {offsets = [0, 0], sizes = [256, 256], strides = [1, 1]} : vector<256x512xf32> to vector<256x256xf32>
    %slice3A_113 = vector.extract_strided_slice %max3A_105 {offsets = [0, 0], sizes = [256, 256], strides = [1, 1]} : vector<256x512xf32> to vector<256x256xf32>
    %slice3A_114 = vector.extract_strided_slice %min3A_106 {offsets = [0, 0], sizes = [256, 256], strides = [1, 1]} : vector<256x512xf32> to vector<256x256xf32>
    %slice3A_115 = vector.extract_strided_slice %max3A_107 {offsets = [0, 0], sizes = [256, 256], strides = [1, 1]} : vector<256x512xf32> to vector<256x256xf32>
    %slice3A_116 = vector.extract_strided_slice %min3A_108 {offsets = [0, 0], sizes = [256, 256], strides = [1, 1]} : vector<256x512xf32> to vector<256x256xf32>
    %slice3A_117 = vector.extract_strided_slice %max3A_101 {offsets = [0, 256], sizes = [256, 256], strides = [1, 1]} : vector<256x512xf32> to vector<256x256xf32>
    %slice3A_118 = vector.extract_strided_slice %min3A_102 {offsets = [0, 256], sizes = [256, 256], strides = [1, 1]} : vector<256x512xf32> to vector<256x256xf32>
    %slice3A_119 = vector.extract_strided_slice %max3A_103 {offsets = [0, 256], sizes = [256, 256], strides = [1, 1]} : vector<256x512xf32> to vector<256x256xf32>
    %slice3A_120 = vector.extract_strided_slice %min3A_104 {offsets = [0, 256], sizes = [256, 256], strides = [1, 1]} : vector<256x512xf32> to vector<256x256xf32>
    %slice3A_121 = vector.extract_strided_slice %max3A_105 {offsets = [0, 256], sizes = [256, 256], strides = [1, 1]} : vector<256x512xf32> to vector<256x256xf32>
    %slice3A_122 = vector.extract_strided_slice %min3A_106 {offsets = [0, 256], sizes = [256, 256], strides = [1, 1]} : vector<256x512xf32> to vector<256x256xf32>
    %slice3A_123 = vector.extract_strided_slice %max3A_107 {offsets = [0, 256], sizes = [256, 256], strides = [1, 1]} : vector<256x512xf32> to vector<256x256xf32>
    %slice3A_124 = vector.extract_strided_slice %min3A_108 {offsets = [0, 256], sizes = [256, 256], strides = [1, 1]} : vector<256x512xf32> to vector<256x256xf32>
    %max3A_125 = arith.maximumf %slice3A_109, %slice3A_124 : vector<256x256xf32>
    %max3A_126 = arith.maximumf %slice3A_110, %slice3A_123 : vector<256x256xf32>
    %max3A_127 = arith.maximumf %slice3A_111, %slice3A_122 : vector<256x256xf32>
    %max3A_128 = arith.maximumf %slice3A_112, %slice3A_121 : vector<256x256xf32>
    %max3A_129 = arith.maximumf %slice3A_113, %slice3A_120 : vector<256x256xf32>
    %max3A_130 = arith.maximumf %slice3A_114, %slice3A_119 : vector<256x256xf32>
    %max3A_131 = arith.maximumf %slice3A_115, %slice3A_118 : vector<256x256xf32>
    %max3A_132 = arith.maximumf %slice3A_116, %slice3A_117 : vector<256x256xf32>
    %max3A_133 = arith.maximumf %max3A_125, %max3A_129 : vector<256x256xf32>
    %min3A_134 = arith.minimumf %max3A_125, %max3A_129 : vector<256x256xf32>
    %max3A_135 = arith.maximumf %max3A_126, %max3A_130 : vector<256x256xf32>
    %min3A_136 = arith.minimumf %max3A_126, %max3A_130 : vector<256x256xf32>
    %max3A_137 = arith.maximumf %max3A_127, %max3A_131 : vector<256x256xf32>
    %min3A_138 = arith.minimumf %max3A_127, %max3A_131 : vector<256x256xf32>
    %max3A_139 = arith.maximumf %max3A_128, %max3A_132 : vector<256x256xf32>
    %min3A_140 = arith.minimumf %max3A_128, %max3A_132 : vector<256x256xf32>
    %max3A_141 = arith.maximumf %max3A_133, %max3A_137 : vector<256x256xf32>
    %min3A_142 = arith.minimumf %max3A_133, %max3A_137 : vector<256x256xf32>
    %max3A_143 = arith.maximumf %max3A_135, %max3A_139 : vector<256x256xf32>
    %min3A_144 = arith.minimumf %max3A_135, %max3A_139 : vector<256x256xf32>
    %max3A_145 = arith.maximumf %min3A_134, %min3A_138 : vector<256x256xf32>
    %min3A_146 = arith.minimumf %min3A_134, %min3A_138 : vector<256x256xf32>
    %max3A_147 = arith.maximumf %min3A_136, %min3A_140 : vector<256x256xf32>
    %min3A_148 = arith.minimumf %min3A_136, %min3A_140 : vector<256x256xf32>
    %max3A_149 = arith.maximumf %max3A_141, %max3A_143 : vector<256x256xf32>
    %min3A_150 = arith.minimumf %max3A_141, %max3A_143 : vector<256x256xf32>
    %max3A_151 = arith.maximumf %min3A_142, %min3A_144 : vector<256x256xf32>
    %min3A_152 = arith.minimumf %min3A_142, %min3A_144 : vector<256x256xf32>
    %max3A_153 = arith.maximumf %max3A_145, %max3A_147 : vector<256x256xf32>
    %min3A_154 = arith.minimumf %max3A_145, %max3A_147 : vector<256x256xf32>
    %max3A_155 = arith.maximumf %min3A_146, %min3A_148 : vector<256x256xf32>
    %min3A_156 = arith.minimumf %min3A_146, %min3A_148 : vector<256x256xf32>
    %slice3A_157 = vector.extract_strided_slice %max3A_149 {offsets = [0, 0], sizes = [256, 128], strides = [1, 1]} : vector<256x256xf32> to vector<256x128xf32>
    %slice3A_158 = vector.extract_strided_slice %min3A_150 {offsets = [0, 0], sizes = [256, 128], strides = [1, 1]} : vector<256x256xf32> to vector<256x128xf32>
    %slice3A_159 = vector.extract_strided_slice %max3A_151 {offsets = [0, 0], sizes = [256, 128], strides = [1, 1]} : vector<256x256xf32> to vector<256x128xf32>
    %slice3A_160 = vector.extract_strided_slice %min3A_152 {offsets = [0, 0], sizes = [256, 128], strides = [1, 1]} : vector<256x256xf32> to vector<256x128xf32>
    %slice3A_161 = vector.extract_strided_slice %max3A_153 {offsets = [0, 0], sizes = [256, 128], strides = [1, 1]} : vector<256x256xf32> to vector<256x128xf32>
    %slice3A_162 = vector.extract_strided_slice %min3A_154 {offsets = [0, 0], sizes = [256, 128], strides = [1, 1]} : vector<256x256xf32> to vector<256x128xf32>
    %slice3A_163 = vector.extract_strided_slice %max3A_155 {offsets = [0, 0], sizes = [256, 128], strides = [1, 1]} : vector<256x256xf32> to vector<256x128xf32>
    %slice3A_164 = vector.extract_strided_slice %min3A_156 {offsets = [0, 0], sizes = [256, 128], strides = [1, 1]} : vector<256x256xf32> to vector<256x128xf32>
    %slice3A_165 = vector.extract_strided_slice %max3A_149 {offsets = [0, 128], sizes = [256, 128], strides = [1, 1]} : vector<256x256xf32> to vector<256x128xf32>
    %slice3A_166 = vector.extract_strided_slice %min3A_150 {offsets = [0, 128], sizes = [256, 128], strides = [1, 1]} : vector<256x256xf32> to vector<256x128xf32>
    %slice3A_167 = vector.extract_strided_slice %max3A_151 {offsets = [0, 128], sizes = [256, 128], strides = [1, 1]} : vector<256x256xf32> to vector<256x128xf32>
    %slice3A_168 = vector.extract_strided_slice %min3A_152 {offsets = [0, 128], sizes = [256, 128], strides = [1, 1]} : vector<256x256xf32> to vector<256x128xf32>
    %slice3A_169 = vector.extract_strided_slice %max3A_153 {offsets = [0, 128], sizes = [256, 128], strides = [1, 1]} : vector<256x256xf32> to vector<256x128xf32>
    %slice3A_170 = vector.extract_strided_slice %min3A_154 {offsets = [0, 128], sizes = [256, 128], strides = [1, 1]} : vector<256x256xf32> to vector<256x128xf32>
    %slice3A_171 = vector.extract_strided_slice %max3A_155 {offsets = [0, 128], sizes = [256, 128], strides = [1, 1]} : vector<256x256xf32> to vector<256x128xf32>
    %slice3A_172 = vector.extract_strided_slice %min3A_156 {offsets = [0, 128], sizes = [256, 128], strides = [1, 1]} : vector<256x256xf32> to vector<256x128xf32>
    %max3A_173 = arith.maximumf %slice3A_157, %slice3A_172 : vector<256x128xf32>
    %max3A_174 = arith.maximumf %slice3A_158, %slice3A_171 : vector<256x128xf32>
    %max3A_175 = arith.maximumf %slice3A_159, %slice3A_170 : vector<256x128xf32>
    %max3A_176 = arith.maximumf %slice3A_160, %slice3A_169 : vector<256x128xf32>
    %max3A_177 = arith.maximumf %slice3A_161, %slice3A_168 : vector<256x128xf32>
    %max3A_178 = arith.maximumf %slice3A_162, %slice3A_167 : vector<256x128xf32>
    %max3A_179 = arith.maximumf %slice3A_163, %slice3A_166 : vector<256x128xf32>
    %max3A_180 = arith.maximumf %slice3A_164, %slice3A_165 : vector<256x128xf32>
    %max3A_181 = arith.maximumf %max3A_173, %max3A_177 : vector<256x128xf32>
    %min3A_182 = arith.minimumf %max3A_173, %max3A_177 : vector<256x128xf32>
    %max3A_183 = arith.maximumf %max3A_174, %max3A_178 : vector<256x128xf32>
    %min3A_184 = arith.minimumf %max3A_174, %max3A_178 : vector<256x128xf32>
    %max3A_185 = arith.maximumf %max3A_175, %max3A_179 : vector<256x128xf32>
    %min3A_186 = arith.minimumf %max3A_175, %max3A_179 : vector<256x128xf32>
    %max3A_187 = arith.maximumf %max3A_176, %max3A_180 : vector<256x128xf32>
    %min3A_188 = arith.minimumf %max3A_176, %max3A_180 : vector<256x128xf32>
    %max3A_189 = arith.maximumf %max3A_181, %max3A_185 : vector<256x128xf32>
    %min3A_190 = arith.minimumf %max3A_181, %max3A_185 : vector<256x128xf32>
    %max3A_191 = arith.maximumf %max3A_183, %max3A_187 : vector<256x128xf32>
    %min3A_192 = arith.minimumf %max3A_183, %max3A_187 : vector<256x128xf32>
    %max3A_193 = arith.maximumf %min3A_182, %min3A_186 : vector<256x128xf32>
    %min3A_194 = arith.minimumf %min3A_182, %min3A_186 : vector<256x128xf32>
    %max3A_195 = arith.maximumf %min3A_184, %min3A_188 : vector<256x128xf32>
    %min3A_196 = arith.minimumf %min3A_184, %min3A_188 : vector<256x128xf32>
    %max3A_197 = arith.maximumf %max3A_189, %max3A_191 : vector<256x128xf32>
    %min3A_198 = arith.minimumf %max3A_189, %max3A_191 : vector<256x128xf32>
    %max3A_199 = arith.maximumf %min3A_190, %min3A_192 : vector<256x128xf32>
    %min3A_200 = arith.minimumf %min3A_190, %min3A_192 : vector<256x128xf32>
    %max3A_201 = arith.maximumf %max3A_193, %max3A_195 : vector<256x128xf32>
    %min3A_202 = arith.minimumf %max3A_193, %max3A_195 : vector<256x128xf32>
    %max3A_203 = arith.maximumf %min3A_194, %min3A_196 : vector<256x128xf32>
    %min3A_204 = arith.minimumf %min3A_194, %min3A_196 : vector<256x128xf32>
    %slice3A_205 = vector.extract_strided_slice %max3A_197 {offsets = [0, 0], sizes = [256, 64], strides = [1, 1]} : vector<256x128xf32> to vector<256x64xf32>
    %slice3A_206 = vector.extract_strided_slice %min3A_198 {offsets = [0, 0], sizes = [256, 64], strides = [1, 1]} : vector<256x128xf32> to vector<256x64xf32>
    %slice3A_207 = vector.extract_strided_slice %max3A_199 {offsets = [0, 0], sizes = [256, 64], strides = [1, 1]} : vector<256x128xf32> to vector<256x64xf32>
    %slice3A_208 = vector.extract_strided_slice %min3A_200 {offsets = [0, 0], sizes = [256, 64], strides = [1, 1]} : vector<256x128xf32> to vector<256x64xf32>
    %slice3A_209 = vector.extract_strided_slice %max3A_201 {offsets = [0, 0], sizes = [256, 64], strides = [1, 1]} : vector<256x128xf32> to vector<256x64xf32>
    %slice3A_210 = vector.extract_strided_slice %min3A_202 {offsets = [0, 0], sizes = [256, 64], strides = [1, 1]} : vector<256x128xf32> to vector<256x64xf32>
    %slice3A_211 = vector.extract_strided_slice %max3A_203 {offsets = [0, 0], sizes = [256, 64], strides = [1, 1]} : vector<256x128xf32> to vector<256x64xf32>
    %slice3A_212 = vector.extract_strided_slice %min3A_204 {offsets = [0, 0], sizes = [256, 64], strides = [1, 1]} : vector<256x128xf32> to vector<256x64xf32>
    %slice3A_213 = vector.extract_strided_slice %max3A_197 {offsets = [0, 64], sizes = [256, 64], strides = [1, 1]} : vector<256x128xf32> to vector<256x64xf32>
    %slice3A_214 = vector.extract_strided_slice %min3A_198 {offsets = [0, 64], sizes = [256, 64], strides = [1, 1]} : vector<256x128xf32> to vector<256x64xf32>
    %slice3A_215 = vector.extract_strided_slice %max3A_199 {offsets = [0, 64], sizes = [256, 64], strides = [1, 1]} : vector<256x128xf32> to vector<256x64xf32>
    %slice3A_216 = vector.extract_strided_slice %min3A_200 {offsets = [0, 64], sizes = [256, 64], strides = [1, 1]} : vector<256x128xf32> to vector<256x64xf32>
    %slice3A_217 = vector.extract_strided_slice %max3A_201 {offsets = [0, 64], sizes = [256, 64], strides = [1, 1]} : vector<256x128xf32> to vector<256x64xf32>
    %slice3A_218 = vector.extract_strided_slice %min3A_202 {offsets = [0, 64], sizes = [256, 64], strides = [1, 1]} : vector<256x128xf32> to vector<256x64xf32>
    %slice3A_219 = vector.extract_strided_slice %max3A_203 {offsets = [0, 64], sizes = [256, 64], strides = [1, 1]} : vector<256x128xf32> to vector<256x64xf32>
    %slice3A_220 = vector.extract_strided_slice %min3A_204 {offsets = [0, 64], sizes = [256, 64], strides = [1, 1]} : vector<256x128xf32> to vector<256x64xf32>
    %max3A_221 = arith.maximumf %slice3A_205, %slice3A_220 : vector<256x64xf32>
    %max3A_222 = arith.maximumf %slice3A_206, %slice3A_219 : vector<256x64xf32>
    %max3A_223 = arith.maximumf %slice3A_207, %slice3A_218 : vector<256x64xf32>
    %max3A_224 = arith.maximumf %slice3A_208, %slice3A_217 : vector<256x64xf32>
    %max3A_225 = arith.maximumf %slice3A_209, %slice3A_216 : vector<256x64xf32>
    %max3A_226 = arith.maximumf %slice3A_210, %slice3A_215 : vector<256x64xf32>
    %max3A_227 = arith.maximumf %slice3A_211, %slice3A_214 : vector<256x64xf32>
    %max3A_228 = arith.maximumf %slice3A_212, %slice3A_213 : vector<256x64xf32>
    %concatenate3A_229 = tpu.concatenate %max3A_221, %max3A_222, %max3A_223, %max3A_224, %max3A_225, %max3A_226, %max3A_227, %max3A_228 in 1 : vector<256x64xf32>, vector<256x64xf32>, vector<256x64xf32>, vector<256x64xf32>, vector<256x64xf32>, vector<256x64xf32>, vector<256x64xf32>, vector<256x64xf32> -> vector<256x512xf32>
    %broadcast_in_dim3A = arith.constant 0x7F800000 : f32
    %broadcast_in_dim3A_230 = vector.broadcast %broadcast_in_dim3A : f32 to vector<256x1xf32>
    %lt3A = vector.broadcast %broadcast_in_dim3A_230 : vector<256x1xf32> to vector<256x512xf32>
    %lt3A_231 = arith.cmpf olt, %concatenate3A_229, %lt3A : vector<256x512xf32>
    %jit3A = arith.constant -1.000000e+00 : f32
    %broadcast_in_dim3A_232 = vector.broadcast %jit3A : f32 to vector<256x512xf32>
    %select_n3A = arith.select %lt3A_231, %concatenate3A_229, %broadcast_in_dim3A_232 : vector<256x512xi1>, vector<256x512xf32>
    %reduce_max3A = arith.constant dense<0xFF800000> : vector<256xf32>
    %reduce_max3A_233 = vector.multi_reduction <maximumf>, %select_n3A, %reduce_max3A [1] : vector<256x512xf32> to vector<256xf32>
    %broadcast_in_dim3A_234 = vector.shape_cast %reduce_max3A_233 : vector<256xf32> to vector<256x1xf32>
    %lt3A_235 = vector.broadcast %broadcast_in_dim3A_234 : vector<256x1xf32> to vector<256x512xf32>
    %lt3A_236 = arith.cmpf olt, %concatenate3A_229, %lt3A_235 : vector<256x512xf32>
    %jit3A_237 = arith.constant -1.000000e+00 : f32
    %broadcast_in_dim3A_238 = vector.broadcast %jit3A_237 : f32 to vector<256x512xf32>
    %select_n3A_239 = arith.select %lt3A_236, %concatenate3A_229, %broadcast_in_dim3A_238 : vector<256x512xi1>, vector<256x512xf32>
    %reduce_max3A_240 = arith.constant dense<0xFF800000> : vector<256xf32>
    %reduce_max3A_241 = vector.multi_reduction <maximumf>, %select_n3A_239, %reduce_max3A_240 [1] : vector<256x512xf32> to vector<256xf32>
    %broadcast_in_dim3A_242 = vector.shape_cast %reduce_max3A_241 : vector<256xf32> to vector<256x1xf32>
    %lt3A_243 = vector.broadcast %broadcast_in_dim3A_242 : vector<256x1xf32> to vector<256x512xf32>
    %lt3A_244 = arith.cmpf olt, %concatenate3A_229, %lt3A_243 : vector<256x512xf32>
    %jit3A_245 = arith.constant -1.000000e+00 : f32
    %broadcast_in_dim3A_246 = vector.broadcast %jit3A_245 : f32 to vector<256x512xf32>
    %select_n3A_247 = arith.select %lt3A_244, %concatenate3A_229, %broadcast_in_dim3A_246 : vector<256x512xi1>, vector<256x512xf32>
    %reduce_max3A_248 = arith.constant dense<0xFF800000> : vector<256xf32>
    %reduce_max3A_249 = vector.multi_reduction <maximumf>, %select_n3A_247, %reduce_max3A_248 [1] : vector<256x512xf32> to vector<256xf32>
    %broadcast_in_dim3A_250 = vector.shape_cast %reduce_max3A_249 : vector<256xf32> to vector<256x1xf32>
    %lt3A_251 = vector.broadcast %broadcast_in_dim3A_250 : vector<256x1xf32> to vector<256x512xf32>
    %lt3A_252 = arith.cmpf olt, %concatenate3A_229, %lt3A_251 : vector<256x512xf32>
    %jit3A_253 = arith.constant -1.000000e+00 : f32
    %broadcast_in_dim3A_254 = vector.broadcast %jit3A_253 : f32 to vector<256x512xf32>
    %select_n3A_255 = arith.select %lt3A_252, %concatenate3A_229, %broadcast_in_dim3A_254 : vector<256x512xi1>, vector<256x512xf32>
    %reduce_max3A_256 = arith.constant dense<0xFF800000> : vector<256xf32>
    %reduce_max3A_257 = vector.multi_reduction <maximumf>, %select_n3A_255, %reduce_max3A_256 [1] : vector<256x512xf32> to vector<256xf32>
    %broadcast_in_dim3A_258 = vector.shape_cast %reduce_max3A_257 : vector<256xf32> to vector<256x1xf32>
    %lt3A_259 = vector.broadcast %broadcast_in_dim3A_258 : vector<256x1xf32> to vector<256x512xf32>
    %lt3A_260 = arith.cmpf olt, %concatenate3A_229, %lt3A_259 : vector<256x512xf32>
    %jit3A_261 = arith.constant -1.000000e+00 : f32
    %broadcast_in_dim3A_262 = vector.broadcast %jit3A_261 : f32 to vector<256x512xf32>
    %select_n3A_263 = arith.select %lt3A_260, %concatenate3A_229, %broadcast_in_dim3A_262 : vector<256x512xi1>, vector<256x512xf32>
    %reduce_max3A_264 = arith.constant dense<0xFF800000> : vector<256xf32>
    %reduce_max3A_265 = vector.multi_reduction <maximumf>, %select_n3A_263, %reduce_max3A_264 [1] : vector<256x512xf32> to vector<256xf32>
    %broadcast_in_dim3A_266 = vector.shape_cast %reduce_max3A_265 : vector<256xf32> to vector<256x1xf32>
    %lt3A_267 = vector.broadcast %broadcast_in_dim3A_266 : vector<256x1xf32> to vector<256x512xf32>
    %lt3A_268 = arith.cmpf olt, %concatenate3A_229, %lt3A_267 : vector<256x512xf32>
    %jit3A_269 = arith.constant -1.000000e+00 : f32
    %broadcast_in_dim3A_270 = vector.broadcast %jit3A_269 : f32 to vector<256x512xf32>
    %select_n3A_271 = arith.select %lt3A_268, %concatenate3A_229, %broadcast_in_dim3A_270 : vector<256x512xi1>, vector<256x512xf32>
    %reduce_max3A_272 = arith.constant dense<0xFF800000> : vector<256xf32>
    %reduce_max3A_273 = vector.multi_reduction <maximumf>, %select_n3A_271, %reduce_max3A_272 [1] : vector<256x512xf32> to vector<256xf32>
    %broadcast_in_dim3A_274 = vector.shape_cast %reduce_max3A_273 : vector<256xf32> to vector<256x1xf32>
    %lt3A_275 = vector.broadcast %broadcast_in_dim3A_274 : vector<256x1xf32> to vector<256x512xf32>
    %lt3A_276 = arith.cmpf olt, %concatenate3A_229, %lt3A_275 : vector<256x512xf32>
    %jit3A_277 = arith.constant -1.000000e+00 : f32
    %broadcast_in_dim3A_278 = vector.broadcast %jit3A_277 : f32 to vector<256x512xf32>
    %select_n3A_279 = arith.select %lt3A_276, %concatenate3A_229, %broadcast_in_dim3A_278 : vector<256x512xi1>, vector<256x512xf32>
    %reduce_max3A_280 = arith.constant dense<0xFF800000> : vector<256xf32>
    %reduce_max3A_281 = vector.multi_reduction <maximumf>, %select_n3A_279, %reduce_max3A_280 [1] : vector<256x512xf32> to vector<256xf32>
    %broadcast_in_dim3A_282 = vector.shape_cast %reduce_max3A_281 : vector<256xf32> to vector<256x1xf32>
    %lt3A_283 = vector.broadcast %broadcast_in_dim3A_282 : vector<256x1xf32> to vector<256x512xf32>
    %lt3A_284 = arith.cmpf olt, %concatenate3A_229, %lt3A_283 : vector<256x512xf32>
    %jit3A_285 = arith.constant -1.000000e+00 : f32
    %broadcast_in_dim3A_286 = vector.broadcast %jit3A_285 : f32 to vector<256x512xf32>
    %select_n3A_287 = arith.select %lt3A_284, %concatenate3A_229, %broadcast_in_dim3A_286 : vector<256x512xi1>, vector<256x512xf32>
    %reduce_max3A_288 = arith.constant dense<0xFF800000> : vector<256xf32>
    %reduce_max3A_289 = vector.multi_reduction <maximumf>, %select_n3A_287, %reduce_max3A_288 [1] : vector<256x512xf32> to vector<256xf32>
    %broadcast_in_dim3A_290 = vector.shape_cast %reduce_max3A_289 : vector<256xf32> to vector<256x1xf32>
    %lt3A_291 = vector.broadcast %broadcast_in_dim3A_290 : vector<256x1xf32> to vector<256x512xf32>
    %lt3A_292 = arith.cmpf olt, %concatenate3A_229, %lt3A_291 : vector<256x512xf32>
    %jit3A_293 = arith.constant -1.000000e+00 : f32
    %broadcast_in_dim3A_294 = vector.broadcast %jit3A_293 : f32 to vector<256x512xf32>
    %select_n3A_295 = arith.select %lt3A_292, %concatenate3A_229, %broadcast_in_dim3A_294 : vector<256x512xi1>, vector<256x512xf32>
    %reduce_max3A_296 = arith.constant dense<0xFF800000> : vector<256xf32>
    %reduce_max3A_297 = vector.multi_reduction <maximumf>, %select_n3A_295, %reduce_max3A_296 [1] : vector<256x512xf32> to vector<256xf32>
    %broadcast_in_dim3A_298 = vector.shape_cast %reduce_max3A_297 : vector<256xf32> to vector<256x1xf32>
    %lt3A_299 = vector.broadcast %broadcast_in_dim3A_298 : vector<256x1xf32> to vector<256x512xf32>
    %lt3A_300 = arith.cmpf olt, %concatenate3A_229, %lt3A_299 : vector<256x512xf32>
    %jit3A_301 = arith.constant -1.000000e+00 : f32
    %broadcast_in_dim3A_302 = vector.broadcast %jit3A_301 : f32 to vector<256x512xf32>
    %select_n3A_303 = arith.select %lt3A_300, %concatenate3A_229, %broadcast_in_dim3A_302 : vector<256x512xi1>, vector<256x512xf32>
    %reduce_max3A_304 = arith.constant dense<0xFF800000> : vector<256xf32>
    %reduce_max3A_305 = vector.multi_reduction <maximumf>, %select_n3A_303, %reduce_max3A_304 [1] : vector<256x512xf32> to vector<256xf32>
    %broadcast_in_dim3A_306 = vector.shape_cast %reduce_max3A_305 : vector<256xf32> to vector<256x1xf32>
    %lt3A_307 = vector.broadcast %broadcast_in_dim3A_306 : vector<256x1xf32> to vector<256x512xf32>
    %lt3A_308 = arith.cmpf olt, %concatenate3A_229, %lt3A_307 : vector<256x512xf32>
    %jit3A_309 = arith.constant -1.000000e+00 : f32
    %broadcast_in_dim3A_310 = vector.broadcast %jit3A_309 : f32 to vector<256x512xf32>
    %select_n3A_311 = arith.select %lt3A_308, %concatenate3A_229, %broadcast_in_dim3A_310 : vector<256x512xi1>, vector<256x512xf32>
    %reduce_max3A_312 = arith.constant dense<0xFF800000> : vector<256xf32>
    %reduce_max3A_313 = vector.multi_reduction <maximumf>, %select_n3A_311, %reduce_max3A_312 [1] : vector<256x512xf32> to vector<256xf32>
    %broadcast_in_dim3A_314 = vector.shape_cast %reduce_max3A_313 : vector<256xf32> to vector<256x1xf32>
    %lt3A_315 = vector.broadcast %broadcast_in_dim3A_314 : vector<256x1xf32> to vector<256x512xf32>
    %lt3A_316 = arith.cmpf olt, %concatenate3A_229, %lt3A_315 : vector<256x512xf32>
    %jit3A_317 = arith.constant -1.000000e+00 : f32
    %broadcast_in_dim3A_318 = vector.broadcast %jit3A_317 : f32 to vector<256x512xf32>
    %select_n3A_319 = arith.select %lt3A_316, %concatenate3A_229, %broadcast_in_dim3A_318 : vector<256x512xi1>, vector<256x512xf32>
    %reduce_max3A_320 = arith.constant dense<0xFF800000> : vector<256xf32>
    %reduce_max3A_321 = vector.multi_reduction <maximumf>, %select_n3A_319, %reduce_max3A_320 [1] : vector<256x512xf32> to vector<256xf32>
    %broadcast_in_dim3A_322 = vector.shape_cast %reduce_max3A_321 : vector<256xf32> to vector<256x1xf32>
    %lt3A_323 = vector.broadcast %broadcast_in_dim3A_322 : vector<256x1xf32> to vector<256x512xf32>
    %lt3A_324 = arith.cmpf olt, %concatenate3A_229, %lt3A_323 : vector<256x512xf32>
    %jit3A_325 = arith.constant -1.000000e+00 : f32
    %broadcast_in_dim3A_326 = vector.broadcast %jit3A_325 : f32 to vector<256x512xf32>
    %select_n3A_327 = arith.select %lt3A_324, %concatenate3A_229, %broadcast_in_dim3A_326 : vector<256x512xi1>, vector<256x512xf32>
    %reduce_max3A_328 = arith.constant dense<0xFF800000> : vector<256xf32>
    %reduce_max3A_329 = vector.multi_reduction <maximumf>, %select_n3A_327, %reduce_max3A_328 [1] : vector<256x512xf32> to vector<256xf32>
    %broadcast_in_dim3A_330 = vector.shape_cast %reduce_max3A_329 : vector<256xf32> to vector<256x1xf32>
    %lt3A_331 = vector.broadcast %broadcast_in_dim3A_330 : vector<256x1xf32> to vector<256x512xf32>
    %lt3A_332 = arith.cmpf olt, %concatenate3A_229, %lt3A_331 : vector<256x512xf32>
    %jit3A_333 = arith.constant -1.000000e+00 : f32
    %broadcast_in_dim3A_334 = vector.broadcast %jit3A_333 : f32 to vector<256x512xf32>
    %select_n3A_335 = arith.select %lt3A_332, %concatenate3A_229, %broadcast_in_dim3A_334 : vector<256x512xi1>, vector<256x512xf32>
    %reduce_max3A_336 = arith.constant dense<0xFF800000> : vector<256xf32>
    %reduce_max3A_337 = vector.multi_reduction <maximumf>, %select_n3A_335, %reduce_max3A_336 [1] : vector<256x512xf32> to vector<256xf32>
    %broadcast_in_dim3A_338 = vector.shape_cast %reduce_max3A_337 : vector<256xf32> to vector<256x1xf32>
    %lt3A_339 = vector.broadcast %broadcast_in_dim3A_338 : vector<256x1xf32> to vector<256x512xf32>
    %lt3A_340 = arith.cmpf olt, %concatenate3A_229, %lt3A_339 : vector<256x512xf32>
    %jit3A_341 = arith.constant -1.000000e+00 : f32
    %broadcast_in_dim3A_342 = vector.broadcast %jit3A_341 : f32 to vector<256x512xf32>
    %select_n3A_343 = arith.select %lt3A_340, %concatenate3A_229, %broadcast_in_dim3A_342 : vector<256x512xi1>, vector<256x512xf32>
    %reduce_max3A_344 = arith.constant dense<0xFF800000> : vector<256xf32>
    %reduce_max3A_345 = vector.multi_reduction <maximumf>, %select_n3A_343, %reduce_max3A_344 [1] : vector<256x512xf32> to vector<256xf32>
    %broadcast_in_dim3A_346 = vector.shape_cast %reduce_max3A_345 : vector<256xf32> to vector<256x1xf32>
    %lt3A_347 = vector.broadcast %broadcast_in_dim3A_346 : vector<256x1xf32> to vector<256x512xf32>
    %lt3A_348 = arith.cmpf olt, %concatenate3A_229, %lt3A_347 : vector<256x512xf32>
    %jit3A_349 = arith.constant -1.000000e+00 : f32
    %broadcast_in_dim3A_350 = vector.broadcast %jit3A_349 : f32 to vector<256x512xf32>
    %select_n3A_351 = arith.select %lt3A_348, %concatenate3A_229, %broadcast_in_dim3A_350 : vector<256x512xi1>, vector<256x512xf32>
    %reduce_max3A_352 = arith.constant dense<0xFF800000> : vector<256xf32>
    %reduce_max3A_353 = vector.multi_reduction <maximumf>, %select_n3A_351, %reduce_max3A_352 [1] : vector<256x512xf32> to vector<256xf32>
    %broadcast_in_dim3A_354 = vector.shape_cast %reduce_max3A_353 : vector<256xf32> to vector<256x1xf32>
    %lt3A_355 = vector.broadcast %broadcast_in_dim3A_354 : vector<256x1xf32> to vector<256x512xf32>
    %lt3A_356 = arith.cmpf olt, %concatenate3A_229, %lt3A_355 : vector<256x512xf32>
    %jit3A_357 = arith.constant -1.000000e+00 : f32
    %broadcast_in_dim3A_358 = vector.broadcast %jit3A_357 : f32 to vector<256x512xf32>
    %select_n3A_359 = arith.select %lt3A_356, %concatenate3A_229, %broadcast_in_dim3A_358 : vector<256x512xi1>, vector<256x512xf32>
    %reduce_max3A_360 = arith.constant dense<0xFF800000> : vector<256xf32>
    %reduce_max3A_361 = vector.multi_reduction <maximumf>, %select_n3A_359, %reduce_max3A_360 [1] : vector<256x512xf32> to vector<256xf32>
    %broadcast_in_dim3A_362 = vector.shape_cast %reduce_max3A_361 : vector<256xf32> to vector<256x1xf32>
    %lt3A_363 = vector.broadcast %broadcast_in_dim3A_362 : vector<256x1xf32> to vector<256x512xf32>
    %lt3A_364 = arith.cmpf olt, %concatenate3A_229, %lt3A_363 : vector<256x512xf32>
    %jit3A_365 = arith.constant -1.000000e+00 : f32
    %broadcast_in_dim3A_366 = vector.broadcast %jit3A_365 : f32 to vector<256x512xf32>
    %select_n3A_367 = arith.select %lt3A_364, %concatenate3A_229, %broadcast_in_dim3A_366 : vector<256x512xi1>, vector<256x512xf32>
    %reduce_max3A_368 = arith.constant dense<0xFF800000> : vector<256xf32>
    %reduce_max3A_369 = vector.multi_reduction <maximumf>, %select_n3A_367, %reduce_max3A_368 [1] : vector<256x512xf32> to vector<256xf32>
    %broadcast_in_dim3A_370 = vector.shape_cast %reduce_max3A_369 : vector<256xf32> to vector<256x1xf32>
    %lt3A_371 = vector.broadcast %broadcast_in_dim3A_370 : vector<256x1xf32> to vector<256x512xf32>
    %lt3A_372 = arith.cmpf olt, %concatenate3A_229, %lt3A_371 : vector<256x512xf32>
    %jit3A_373 = arith.constant -1.000000e+00 : f32
    %broadcast_in_dim3A_374 = vector.broadcast %jit3A_373 : f32 to vector<256x512xf32>
    %select_n3A_375 = arith.select %lt3A_372, %concatenate3A_229, %broadcast_in_dim3A_374 : vector<256x512xi1>, vector<256x512xf32>
    %reduce_max3A_376 = arith.constant dense<0xFF800000> : vector<256xf32>
    %reduce_max3A_377 = vector.multi_reduction <maximumf>, %select_n3A_375, %reduce_max3A_376 [1] : vector<256x512xf32> to vector<256xf32>
    %broadcast_in_dim3A_378 = vector.shape_cast %reduce_max3A_377 : vector<256xf32> to vector<256x1xf32>
    %lt3A_379 = vector.broadcast %broadcast_in_dim3A_378 : vector<256x1xf32> to vector<256x512xf32>
    %lt3A_380 = arith.cmpf olt, %concatenate3A_229, %lt3A_379 : vector<256x512xf32>
    %jit3A_381 = arith.constant -1.000000e+00 : f32
    %broadcast_in_dim3A_382 = vector.broadcast %jit3A_381 : f32 to vector<256x512xf32>
    %select_n3A_383 = arith.select %lt3A_380, %concatenate3A_229, %broadcast_in_dim3A_382 : vector<256x512xi1>, vector<256x512xf32>
    %reduce_max3A_384 = arith.constant dense<0xFF800000> : vector<256xf32>
    %reduce_max3A_385 = vector.multi_reduction <maximumf>, %select_n3A_383, %reduce_max3A_384 [1] : vector<256x512xf32> to vector<256xf32>
    %broadcast_in_dim3A_386 = vector.shape_cast %reduce_max3A_385 : vector<256xf32> to vector<256x1xf32>
    %ge3A = vector.broadcast %broadcast_in_dim3A_386 : vector<256x1xf32> to vector<256x8192xf32>
    %ge3A_387 = arith.cmpf oge, %max3A_16, %ge3A : vector<256x8192xf32>
    %jit3A_388 = arith.constant 0.000000e+00 : f32
    %broadcast_in_dim3A_389 = vector.broadcast %jit3A_388 : f32 to vector<256x8192xf32>
    %select_n3A_390 = arith.select %ge3A_387, %max3A_16, %broadcast_in_dim3A_389 : vector<256x8192xi1>, vector<256x8192xf32>
    %swap3A = arith.constant 0 : index
    %swap3A_391 = arith.constant 0 : index
    %swap3A_392 = vector.load %arg5[%swap3A, %swap3A_391] : memref<256x8192xf32, #tpu.memory_space<vmem>>, vector<256x8192xf32>
    tpu.vector_store %arg5[%swap3A, %swap3A_391], %select_n3A_390 {strides = array<i32>} : memref<256x8192xf32, #tpu.memory_space<vmem>>, vector<256x8192xf32>,
    return
  }
  func.func @transform_0(%arg0: i32) -> (i32, i32) {
    %c0_i32 = arith.constant 0 : i32
    %c0_i32_0 = arith.constant 0 : i32
    return %arg0, %c0_i32 : i32, i32
  }
  func.func @transform_1(%arg0: i32) -> (i32, i32) {
    %c0_i32 = arith.constant 0 : i32
    %c0_i32_0 = arith.constant 0 : i32
    return %arg0, %c0_i32 : i32, i32
  }
  func.func @transform_2(%arg0: i32) -> (i32, i32) {
    %c0_i32 = arith.constant 0 : i32
    %c0_i32_0 = arith.constant 0 : i32
    %c0_i32_1 = arith.constant 0 : i32
    return %c0_i32, %c0_i32_0 : i32, i32
  }
  func.func @transform_3(%arg0: i32) -> (i32, i32) {
    %c0_i32 = arith.constant 0 : i32
    %c0_i32_0 = arith.constant 0 : i32
    %c0_i32_1 = arith.constant 0 : i32
    return %c0_i32, %c0_i32_0 : i32, i32
  }
  func.func @transform_4(%arg0: i32) -> (i32, i32) {
    %c0_i32 = arith.constant 0 : i32
    %c0_i32_0 = arith.constant 0 : i32
    return %arg0, %c0_i32 : i32, i32
  }
}

</mosaic_0001>

<sc_bundles>
// kernel: gather_offload_async_start.1
scs
__scs_entry_jumppad:
0x0: {  	(pc) =	sbr.rel $0x88, $3  }
0x1: {  	(tag) =	ssettag $0x0;
	lr =	simm.s32 $0x1  }
0x2: {  	[smem:$0x3F9A] =	sst lr;
	_ =	strace $0xD0000000  }
0x3: {  	_ = 	snop  }
0x4: {  	_ = 	snop  }
0x5: {  	_ = 	snop  }
0x6: {  	_ = 	snop  }
0x7: {  	_ = 	snop  }
__scs_overlays_trampoline_lowered:
0x8: {  	[smem:$0x3FA9] =	sst s0  }
0x9: {  	[smem:$0x3FAA] =	sst s1  }
0xa: {  	[smem:$0x3FAB] =	sst s2  }
0xb: {  	[smem:$0x3FAC] =	sst s3  }
0xc: {  	[smem:$0x3FAD] =	sst s4  }
0xd: {  	[smem:$0x3FAE] =	sst s5  }
0xe: {  	[smem:$0x3FAF] =	sst s6  }
0xf: {  	[smem:$0x3FB0] =	sst s7  }
0x10: {  	[smem:$0x3FB1] =	sst s8  }
0x11: {  	[smem:$0x3FB2] =	sst s9;
	s0 =	simm.s32 @!p0 $0x0  }
0x12: {  	s1 =	sld [smem:$0x3F98];
	s0 =	simm.s32 @p0 $0x1  }
0x13: {  	[smem:$0x3FB3] =	sst s0;
	s0 =	simm.s32 @!p1 $0x0  }
0x14: {  	s2 =	sld [smem:$0x3F97];
	s0 =	simm.s32 @p1 $0x1  }
0x15: {  	[smem:$0x3FB4] =	sst s0;
	s0 =	simm.s32 @!p2 $0x0  }
0x16: {  	s3 =	sld [smem:$0x3FDB];
	s0 =	simm.s32 @p2 $0x1  }
0x17: {  	s4 =	simm.s32 $0x1BF5;
	[smem:$0x3FB6] =	sst s0  }
0x18: {  	s0 =	sld [smem:$0x3F99];
	_ =	swait.ge [sflag:s4], $0x0  }
0x19: {  	s7 =	sld [smem:$0x3F9A]  }
0x1a: {  	s8 =	sadd.s32 $0xFFFFE003, lr  }
0x1b: {  	s9 =	sadd.s32 $0xFFFFFEF7, lr;
	s5 =	simm.s32 $0xFFFFFFFF;
	p2 =	slt.u32 s8, $0xFFFFF086  }
0x1c: {  	p1 =	slt.u32 s9, $0xF7A;
	s5 =	simm.s32 @!p2 $0x0  }
0x1d: {  	s5 =	simm.s32 @p1 $0x1;
	p0 =	seq.s32 s7, s2  }
0x1e: {  	s7 =	smul.u32 @!p0 $0xF7A, s2;
	p2 =	seq.s32 @!p0 s5, $0x0  }
0x1f: {  	s9 =	smul.u32 $0xF7A, s1;
	s8 =	simm.s32 @!p0 $0x1BF5;
	p2 =	por !p2, p0  }
0x20: {  	[sflag:s8] =	ssyncset.s32 @!p0 $0xFFFFF086;
	s6 =	sadd.s32 @!p0 s3, s7;
	s7 =	simm.s32 @!p0 $0x108  }
0x21: {  	s3 =	sadd.s32 s3, s9;
	s6 =	sadd.s32 @!p0 $0x88, s6;
	s7 =	simm.s32 @p2 $0x1082  }
0x22: {  	[simem:s7], [sflag:s8] =	dma.local @!p0 [hbm:s6], $0xF7A  }
0x23: {  	s9 =	sor.u32 $0xD0000000, s2;
	s6 =	simm.s32 $0x108;
	_ =	swait.ge @!p0 [sflag:s8], $0x0  }
0x24: {  	s3 =	sadd.s32 $0x88, s3;
	s6 =	simm.s32 @!p1 $0x1082;
	[sflag:s4] =	ssyncset.s32 $0xFFFFF086  }
0x25: {  	[simem:s6], [sflag:s4] =	dma.local [hbm:s3], $0xF7A  }
0x26: {  	[smem:$0x3F9A] =	sst s1;
	(tag) =	ssettag s2;
	_ =	strace s9  }
0x27: {  	s1 =	sld [smem:$0x3FAA]  }
0x28: {  	s2 =	sld [smem:$0x3FAB]  }
0x29: {  	s4 =	sld [smem:$0x3FAD]  }
0x2a: {  	p0 =	seq.s32 s5, $0x0;
	s5 =	sld [smem:$0x3FAE]  }
0x2b: {  	s6 =	sld [smem:$0x3FAF]  }
0x2c: {  	s7 =	sld [smem:$0x3FB0]  }
0x2d: {  	s3 =	simm.s32 $0x108;
	s8 =	sld [smem:$0x3FB1]  }
0x2e: {  	s3 =	simm.s32 @!p0 $0x1082;
	s9 =	sld [smem:$0x3FB2]  }
0x2f: {  	lr =	sadd.s32 s0, s3;
	s0 =	sld [smem:$0x3FA9]  }
0x30: {  	s3 =	sld [smem:$0x3FAC]  }
0x31: {  	[smem:$0x3FB5] =	sst s10  }
0x32: {  	s10 =	sld [smem:$0x3FB3];
	_ =	sdelay $0x3  }
0x33: {  	p0 =	seq.s32 s10, $0x1;
	s10 =	sld [smem:$0x3FB5];
	_ =	sdelay $0x3  }
0x34: {  	[smem:$0x3FB5] =	sst s10  }
0x35: {  	s10 =	sld [smem:$0x3FB4];
	_ =	sdelay $0x3  }
0x36: {  	p1 =	seq.s32 s10, $0x1;
	s10 =	sld [smem:$0x3FB5];
	_ =	sdelay $0x3  }
0x37: {  	[smem:$0x3FB5] =	sst s10  }
0x38: {  	s10 =	sld [smem:$0x3FB6]  }
0x39: {  	_ = 	snop;
	(pc) =	sbr.ind lr, $3  }
0x3a: {  	_ = 	snop  }
0x3b: {  	_ = 	snop  }
0x3c: {  	p2 =	seq.s32 s10, $0x1;
	s10 =	sld [smem:$0x3FB5]  }
0x3d: {  	_ =	shalt  }
0x3e: {  	_ =	shalt  }
0x3f: {  	_ =	shalt  }
0x40: {  	_ =	shalt  }
0x41: {  	_ =	shalt  }
0x42: {  	_ =	shalt  }
0x43: {  	_ =	shalt  }
0x44: {  	_ =	shalt  }
0x45: {  	_ =	shalt  }
0x46: {  	_ =	shalt  }
0x47: {  	_ =	shalt  }
0x48: {  	_ =	shalt  }
0x49: {  	_ =	shalt  }
0x4a: {  	_ =	shalt  }
0x4b: {  	_ =	shalt  }
0x4c: {  	_ =	shalt  }
0x4d: {  	_ =	shalt  }
0x4e: {  	_ =	shalt  }
0x4f: {  	_ =	shalt  }
0x50: {  	_ =	shalt  }
0x51: {  	_ =	shalt  }
0x52: {  	_ =	shalt  }
0x53: {  	_ =	shalt  }
0x54: {  	_ =	shalt  }
0x55: {  	_ =	shalt  }
0x56: {  	_ =	shalt  }
0x57: {  	_ =	shalt  }
0x58: {  	_ =	shalt  }
0x59: {  	_ =	shalt  }
0x5a: {  	_ =	shalt  }
0x5b: {  	_ =	shalt  }
0x5c: {  	_ =	shalt  }
0x5d: {  	_ =	shalt  }
0x5e: {  	_ =	shalt  }
0x5f: {  	_ =	shalt  }
0x60: {  	_ =	shalt  }
0x61: {  	_ =	shalt  }
0x62: {  	_ =	shalt  }
0x63: {  	_ =	shalt  }
0x64: {  	_ =	shalt  }
0x65: {  	_ =	shalt  }
0x66: {  	_ =	shalt  }
0x67: {  	_ =	shalt  }
0x68: {  	_ =	shalt  }
0x69: {  	_ =	shalt  }
0x6a: {  	_ =	shalt  }
0x6b: {  	_ =	shalt  }
0x6c: {  	_ =	shalt  }
0x6d: {  	_ =	shalt  }
0x6e: {  	_ =	shalt  }
0x6f: {  	_ =	shalt  }
0x70: {  	_ =	shalt  }
0x71: {  	_ =	shalt  }
0x72: {  	_ =	shalt  }
0x73: {  	_ =	shalt  }
0x74: {  	_ =	shalt  }
0x75: {  	_ =	shalt  }
0x76: {  	_ =	shalt  }
0x77: {  	_ =	shalt  }
0x78: {  	_ =	shalt  }
0x79: {  	_ =	shalt  }
0x7a: {  	_ =	shalt  }
0x7b: {  	_ =	shalt  }
0x7c: {  	_ =	shalt  }
0x7d: {  	_ =	shalt  }
0x7e: {  	_ =	shalt  }
0x7f: {  	_ =	shalt  }
0x80: {  	_ =	shalt  }
0x81: {  	_ =	shalt  }
0x82: {  	_ =	shalt  }
0x83: {  	_ =	shalt  }
0x84: {  	_ =	shalt  }
0x85: {  	_ =	shalt  }
0x86: {  	_ =	shalt  }
0x87: {  	_ =	shalt  }
.Lfunc_end0:
.L_simem_size_0:
called_computation.1_lowered:
.L_overlay_start_0:
0x88: {  	s2 =	sld [smem:$0x3FD9]  }
0x89: {  	s3 =	sld [smem:$0x3FFE];
	_ =	sdelay $0x1  }
0x8a: {  	s1 =	srdreg.scid  }
0x8b: {  	s0 =	sand.u32 $0x1, s1  }
0x8c: {  	s17 =	sshll.u32 s0, $0xA;
	s2 =	sadd.s32 s3, s2  }
0x8d: {  	s2 =	sadd.s32 s2, s17  }
0x8e: {  	[smem:$0x3FC1] =	sst s2  }
0x8f: {  	_ = 	snop  }
0x90: {  	s2 =	sld [smem:$0x3FD0];
	(tm) =	ssettm $0x1  }
0x91: {  	s18 =	sld [smem:$0x3FFB];
	_ =	sdelay $0x3  }
0x92: {  	_ =	strace s18  }
0x93: {  	s3 =	sld [smem:$0x3FFC];
	_ =	sdelay $0x3  }
0x94: {  	_ =	strace s3  }
0x95: {  	s3 =	sld [smem:$0x3FFD];
	_ =	sdelay $0x3  }
0x96: {  	_ =	strace s3  }
0x97: {  	_ =	strace $0x8FFFFFFF  }
0x98: {  	s19 =	sld [smem:$0x3FDB];
	_ =	sdelay $0x1  }
0x99: {  	s4 =	simm.s32 $_scs_section_size  }
0x9a: {  	s5 =	simm.s32 $_size__tile_overlayer_lowered;
	s6 =	simm.s32 $_tile_overlayer_lowered  }
0x9b: {  	s22 =	simm.s32 $0x1BFF;
	s21 =	sshll.u32 s6, $0x1;
	s3 =	sadd.s32 s4, s19  }
0x9c: {  	s7 =	simm.s32 $0x0;
	s20 =	sshll.u32 s5, $0x1;
	s5 =	sadd.s32 s21, s3  }
0x9d: {  	[timem:s7], [sflag:s22] =	dma.local [hbm:s5], s20  }
0x9e: {  	_ =	swait.ge [sflag:s22], s20  }
0x9f: {  	s4 =	ssub.s32 $0x0, s20;
	[sflag:s22] =	ssyncset.done $0x0  }
0xa0: {  	[sflag:s22] =	ssyncadd.s32 s4;
	_ =	sdelay $0x1  }
0xa1: {  	s23 =	simm.s32 $0x1B8B  }
0xa2: {  	_ =	swait.ge [sflag:s23], $0x1  }
0xa3: {  	[sflag:s23] =	ssyncset.done $0x0  }
0xa4: {  	s25 =	simm.s32 $0x1B8E;
	s24 =	sld [smem:$0x3FFE];
	[sflag:s23] =	ssyncadd.s32 $0xFFFFFFFF  }
0xa5: {  	s26 =	simm.s32 $execute0_lowered;
	[smem:$0x3FD2] =	sst s25  }
0xa6: {  	s5 =	sshll.u32 s26, $0x1;
	_ =	strace $0x80000046;
	[dreg:$0x1] =	wrdreg $0xFFFFFFFF  }
0xa7: {  	s28 =	simm.s32 $_size_execute0_lowered;
	s3 =	sadd.s32 s3, s5;
	[dreg:$0x0] =	wrdreg $0x0  }
0xa8: {  	s5 =	sshll.u32 s28, $0x1;
	[dreg:$0x2] =	wrdreg s3  }
0xa9: {  	[dreg:$0x3] =	wrdreg s5  }
0xaa: {  	[dreg:$0x4] =	wrdreg $0xC0  }
0xab: {  	_ =	task [dreg:s7], $0x5FFFF  }
0xac: {  	[dreg:$0x1] =	wrdreg $0xFFFFFFFF  }
0xad: {  	[dreg:$0x0] =	wrdreg $0x60  }
0xae: {  	[dreg:$0x2] =	wrdreg s2  }
0xaf: {  	[dreg:$0x3] =	wrdreg s24  }
0xb0: {  	[dreg:$0x4] =	wrdreg $0xA  }
0xb1: {  	_ =	task.clear_ibuf [dreg:s7], $0x5FFFF;
	_ =	strace $0x90000046  }
0xb2: {  	s29 =	simm.s32 $0xA;
	_ =	strace $0x80000048  }
0xb3: {  	_ =	swait.ge [sflag:s29], $0x1  }
0xb4: {  	[sflag:s29] =	ssyncadd.s32 $0xFFFFFFFF  }
0xb5: {  	_ =	strace $0x90000048  }
0xb6: {  	_ =	sfence  }
0xb7: {  	s30 =	sld [smem:$0x0];
	_ =	sdelay $0x2  }
0xb8: {  	s31 =	sshll.u32 s1, $0xD;
	s1 =	sshrl.u32 s1, $0x2  }
0xb9: {  	s3 =	sand.u32 $0x4000, s31;
	s1 =	sadd.s32 s1, s30  }
0xba: {  	s0 =	sor.u32 s3, s0;
	s1 =	sshll.u32 s1, $0x11  }
0xbb: {  	s0 =	sor.u32 s1, s0  }
0xbc: {  	s0 =	sadd.s32 $0x8F2B, s0  }
0xbd: {  	[sflag:s0] =	ssyncadd.remote.s32 $0x1  }
0xbe: {  	_ =	sfence.sel $0xFFFF  }
0xbf: {  	[dreg:$0x0] =	wrdreg $0xFFFFFFFF;
	(pc) =	sbr.abs _section_cstart, $3  }
0xc0: {  	[dreg:$0x1] =	wrdreg $0xFFFFFFFF  }
0xc1: {  	_ =	task.clear_ibuf [dreg:s7], $0x2FFFF;
	_ =	strace $0x9FFFFFFF  }
0xc2: {  	(tm) =	ssettm $0x7FFFFFFF  }
0xc3: {  	_ =	shalt  }
tec
execute0_lowered:
.L_overlay_start_1:
0x0: {  	(tag) =	ssettag $0x1  }
0x1: {  	s2 =	rddreg [dreg:$0x0]  }
0x2: {  	s7 =	rddreg [dreg:$0x1]  }
0x3: {  	s0 =	rddreg [dreg:$0x2]  }
0x4: {  	s1 =	srdreg.scid;
	_ =	strace $0x80000047;
	s4 =	simm.s32 $0x1  }
0x5: {  	s9 =	simm.s32 $0x3;
	s12 =	simm.s32 $0x0;
	s5 =	sshll.u32 s1, $0x4  }
.Ltmp0:
0x6: {  	s1 =	stileid.u32;
	s5 =	sand.u32 $0x10, s5;
	(pc) =	sbr.rel .LBB2_1-.Ltmp0, $4  }
0x7: {  	s10 =	simm.s32 $0x0;
	s3 =	sadd.s32 $0x1800, s7;
	s6 =	sor.u32 s1, s5  }
0x8: {  	[sflag:s4] =	ssyncpa.u1 $0x0;
	s5 =	simm.s32 $0x2;
	s6 =	sshll.u32 s6, $0x8  }
0x9: {  	s7 =	sadd.s32 $0x1C00, s7;
	[sflag:s5] =	ssyncpa.u1 $0x0;
	s8 =	sadd.s32 $0x100, s6  }
0xa: {  	vm0 =	vmmov $0xff;
	vm1 =	vcmask $0x3F20;
	[sflag:s9] =	ssyncpa.u1 $0x0;
	s9 =	simm.s32 $0x100;
	s11 =	smov.u32 s6  }
.LBB2_9:
0xb: {  	p0 =	seq.s32 s10, $0x2  }
.Ltmp1:
0xc: {  	_ = 	snop;
	(pc) =	sbr.rel @p0 .LBB2_11-.Ltmp1, $1  }
0xd: {  	_ =	sdelay $0x3  }
.LBB2_10:
0xe: {  	s12 =	sadd.s32 $0x100, s11  }
0xf: {  	s13 =	smov.u32 s6;
	p0 =	slt.s32 s12, s8  }
0x10: {  	s13 =	smov.u32 @p0 s12  }
0x11: {  	s10 =	sadd.s32 $0x1, s10;
	s12 =	smov.u32 s11;
	s11 =	smov.u32 s13  }
.LBB2_1:
0x12: {  	p0 =	sne.s32 s10, $0x0  }
.Ltmp2:
0x13: {  	_ = 	snop;
	(pc) =	sbr.rel @!p0 .LBB2_2-.Ltmp2, $1  }
0x14: {  	_ =	sdelay $0x3  }
0x15: {  	s13 =	sand.u32 $0x1, s10  }
0x16: {  	p0 =	seq.s32 s13, $0x0  }
.Ltmp3:
0x17: {  	_ = 	snop;
	(pc) =	sbr.rel @p0 .LBB2_9-.Ltmp3, $1  }
0x18: {  	_ =	sdelay $0x3  }
0x19: {  	_ =	swait.ge [sflag:s5], $0x100  }
0x1a: {  	[sflag:s5] =	ssyncset.done $0x0  }
0x1b: {  	s13 =	simm.s32 $0x0;
	[sflag:s5] =	ssyncadd.s32 $0xFFFFFF00  }
0x1c: {  	v0 =	vld.msk [tilespmem:s13+$0x100 ss:$0x1], $0xffff;
	_ =	sdelay $0x4  }
0x1d: {  	vm2 =	vgt.s32 v0, $0x0  }
0x1e: {  	v0 =	vnsel vm2, $0x0, v0  }
0x1f: {  	v0 =	vmin.u32 v0, $0x1FFF  }
0x20: {  	v0 =	vshll.u32 v0, $0x4;
	_ =	sdelay $0x3  }
0x21: {  	s13 =	simm.s32 $0x8200  }
0x22: {  	[tilespmem:s13], [sflag:$0x1] =	stream.indirect_vreg.gather [hbm:s2], $0x80, v0, vm0, $0x38;
	[tilespmem:$0x10200] =	vst v63  }
0x23: {  	s14 =	simm.s32 $0x8600;
	s31 =	simm.s32 $0x10  }
0x24: {  	[tilespmem:s14], [sflag:$0x1] =	stream.indirect_vreg.gather [hbm:s2], $0x80, v0, vm1, $0x38;
	[tilespmem:$0x10200] =	vst v63  }
0x25: {  	s14 =	simm.s32 $0x80;
	v0 =	vld.msk [tilespmem:s31+$0x100 ss:$0x1], $0xffff  }
.LBB2_5:
0x26: {  	p0 =	sne.s32 s14, $0x3C0;
	_ =	sdelay $0x4  }
0x27: {  	vm2 =	vgt.s32 v0, $0x0  }
0x28: {  	v0 =	vnsel vm2, $0x0, v0  }
0x29: {  	v0 =	vmin.u32 v0, $0x1FFF  }
0x2a: {  	v0 =	vshll.u32 v0, $0x4;
	_ =	sdelay $0x3  }
.Ltmp4:
0x2b: {  	s13 =	sadd.s32 $0x800, s13;
	(pc) =	sbr.rel @p0 .LBB2_5-.Ltmp4, $4  }
0x2c: {  	[tilespmem:s13], [sflag:$0x1] =	stream.indirect_vreg.gather [hbm:s2], $0x80, v0, vm0, $0x38;
	[tilespmem:$0x10200] =	vst v63  }
0x2d: {  	s15 =	sshra.s32 s14, $0x2;
	s16 =	sadd.s32 $0x400, s13  }
0x2e: {  	[tilespmem:s16], [sflag:$0x1] =	stream.indirect_vreg.gather [hbm:s2], $0x80, v0, vm1, $0x38;
	[tilespmem:$0x10200] =	vst v63  }
0x2f: {  	s14 =	sadd.s32 $0x40, s14;
	v0 =	vld.msk [tilespmem:s15+$0x100 ss:$0x1], $0xffff  }
0x30: {  	_ =	sdelay $0x3  }
0x31: {  	vm2 =	vgt.s32 v0, $0x0  }
0x32: {  	v0 =	vnsel vm2, $0x0, v0  }
0x33: {  	v0 =	vmin.u32 v0, $0x1FFF  }
0x34: {  	v0 =	vshll.u32 v0, $0x4;
	_ =	sdelay $0x3  }
0x35: {  	s13 =	sadd.s32 $0x800, s13  }
0x36: {  	[tilespmem:s13], [sflag:$0x1] =	stream.indirect_vreg.gather [hbm:s2], $0x80, v0, vm0, $0x38;
	[tilespmem:$0x10200] =	vst v63  }
0x37: {  	s13 =	sadd.s32 $0x400, s13  }
0x38: {  	[tilespmem:s13], [sflag:$0x1] =	stream.indirect_vreg.gather [hbm:s2], $0x80, v0, vm1, $0x38;
	[tilespmem:$0x10200] =	vst v63  }
0x39: {  	s12 =	sshll.u32 s12, $0x4;
	s14 =	simm.s32 $0x80;
	_ =	swait.ge [sflag:s4], $0x8000  }
0x3a: {  	s15 =	simm.s32 $0x8600;
	s12 =	sadd.s32 s12, s7;
	[sflag:s4] =	ssyncset.done $0x0  }
0x3b: {  	s16 =	sadd.s32 $0x0, s12;
	s13 =	simm.s32 $0x8200;
	[sflag:s4] =	ssyncadd.s32 $0xFFFF8000  }
.LBB2_7:
0x3c: {  	[hbm:s16] =	stream.linear.scatter [tilespmem:s13], [sflag:$0x3], $0x400, $0x38;
	[tilespmem:$0x10200] =	vst v63  }
0x3d: {  	s16 =	smov.u32 s14;
	s13 =	smov.u32 s15;
	p0 =	sne.s32 s14, $0xF80  }
.Ltmp5:
0x3e: {  	s14 =	sadd.s32 $0x80, s14;
	(pc) =	sbr.rel @p0 .LBB2_7-.Ltmp5, $2  }
0x3f: {  	_ =	sdelay $0x2  }
0x40: {  	s15 =	sadd.s32 $0x400, s15;
	s16 =	sadd.s32 s16, s12  }
.Ltmp6:
0x41: {  	(pc) =	sbr.rel .LBB2_9-.Ltmp6, $2  }
0x42: {  	_ =	sdelay $0x2  }
0x43: {  	[hbm:s16] =	stream.linear.scatter [tilespmem:s13], [sflag:$0x3], $0x400, $0x38;
	[tilespmem:$0x10200] =	vst v63  }
.LBB2_2:
.Ltmp7:
0x44: {  	(pc) =	sbr.rel .LBB2_10-.Ltmp7, $4  }
0x45: {  	_ = 	snop  }
0x46: {  	s12 =	sshrl.u32 s11, $0x3  }
0x47: {  	s13 =	sand.u32 $0x7, s11;
	s12 =	sadd.s32 s3, s12  }
0x48: {  	[tilespmem:s9], [sflag:$0x2] =	stream.linear.gather [hbm4b:s12+s13], $0x100, $0x38;
	[tilespmem:$0x10200] =	vst v63  }
.LBB2_11:
0x49: {  	s2 =	simm.s32 $0x3  }
0x4a: {  	_ =	swait.ge [sflag:s2], $0x8000  }
0x4b: {  	[sflag:s2] =	ssyncset.done $0x0  }
0x4c: {  	[sflag:s2] =	ssyncadd.s32 $0xFFFF8000  }
0x4d: {  	_ =	sfence.sel $0x180000  }
0x4e: {  	s3 =	simm.s32 $0x2;
	[bflag:$0x0] =	sbarrier.arrive $0xFFFF  }
0x4f: {  	[sflag:s3] =	ssyncpa.u1 $0x1  }
0x50: {  	s31 =	simm.s32 $0x1;
	[sflag:s2] =	ssyncpa.u1 $0x1  }
0x51: {  	[sflag:s31] =	ssyncpa.u1 $0x1  }
0x52: {  	p0 =	sne.s32 s1, $0x0;
	_ =	strace $0x90000047  }
0x53: {  	s0 =	sadd.s32 @!p0 $0x100000, s0;
	[bflag:$0x2] =	sbarrier.arrive $0xFFFF  }
0x54: {  	[sflag:s0] =	ssyncadd.tile.s32 @!p0 $0x1;
	_ =	shalt  }
.Lfunc_end2:
_tile_overlayer_lowered:
.L_overlay_start_2:
0x55: {  	(tag) =	ssettag $0x2  }
0x56: {  	s0 =	rddreg [dreg:$0x0];
	s2 =	stileid.u32  }
0x57: {  	s1 =	rddreg [dreg:$0x1];
	p0 =	sne.s32 s2, $0x0  }
0x58: {  	s3 =	rddreg [dreg:$0x2];
	[bflag:$0x3] =	sbarrier.arrive $0xFFFF;
	s2 =	simm.s32 @!p0 $0x1C01  }
0x59: {  	[timem:s3], [sflag:s2] =	dma.local @!p0 [hbm:s0], s1  }
0x5a: {  	s0 =	simm.s32 @!p0 $0x1  }
0x5b: {  	_ =	swait.ge @!p0 [sflag:s0], s1  }
0x5c: {  	s1 =	ssub.s32 @!p0 $0x0, s1;
	[sflag:s0] =	ssyncset.done @!p0 $0x0  }
0x5d: {  	[sflag:s0] =	ssyncadd.s32 @!p0 s1  }
0x5e: {  	[bflag:$0x3] =	sbarrier.arrive $0xFFFF  }
0x5f: {  	_ =	shalt  }

// kernel: gather_offload_async_start
scs
__scs_entry_jumppad:
0x0: {  	(pc) =	sbr.rel $0x88, $3  }
0x1: {  	(tag) =	ssettag $0x0;
	lr =	simm.s32 $0x1  }
0x2: {  	[smem:$0x3F9A] =	sst lr;
	_ =	strace $0xD0000000  }
0x3: {  	_ = 	snop  }
0x4: {  	_ = 	snop  }
0x5: {  	_ = 	snop  }
0x6: {  	_ = 	snop  }
0x7: {  	_ = 	snop  }
__scs_overlays_trampoline_lowered:
0x8: {  	[smem:$0x3FA9] =	sst s0  }
0x9: {  	[smem:$0x3FAA] =	sst s1  }
0xa: {  	[smem:$0x3FAB] =	sst s2  }
0xb: {  	[smem:$0x3FAC] =	sst s3  }
0xc: {  	[smem:$0x3FAD] =	sst s4  }
0xd: {  	[smem:$0x3FAE] =	sst s5  }
0xe: {  	[smem:$0x3FAF] =	sst s6  }
0xf: {  	[smem:$0x3FB0] =	sst s7  }
0x10: {  	[smem:$0x3FB1] =	sst s8  }
0x11: {  	[smem:$0x3FB2] =	sst s9;
	s0 =	simm.s32 @!p0 $0x0  }
0x12: {  	s1 =	sld [smem:$0x3F98];
	s0 =	simm.s32 @p0 $0x1  }
0x13: {  	[smem:$0x3FB3] =	sst s0;
	s0 =	simm.s32 @!p1 $0x0  }
0x14: {  	s2 =	sld [smem:$0x3F97];
	s0 =	simm.s32 @p1 $0x1  }
0x15: {  	[smem:$0x3FB4] =	sst s0;
	s0 =	simm.s32 @!p2 $0x0  }
0x16: {  	s3 =	sld [smem:$0x3FDB];
	s0 =	simm.s32 @p2 $0x1  }
0x17: {  	s4 =	simm.s32 $0x1BF5;
	[smem:$0x3FB6] =	sst s0  }
0x18: {  	s0 =	sld [smem:$0x3F99];
	_ =	swait.ge [sflag:s4], $0x0  }
0x19: {  	s7 =	sld [smem:$0x3F9A]  }
0x1a: {  	s8 =	sadd.s32 $0xFFFFE003, lr  }
0x1b: {  	s9 =	sadd.s32 $0xFFFFFEF7, lr;
	s5 =	simm.s32 $0xFFFFFFFF;
	p2 =	slt.u32 s8, $0xFFFFF086  }
0x1c: {  	p1 =	slt.u32 s9, $0xF7A;
	s5 =	simm.s32 @!p2 $0x0  }
0x1d: {  	s5 =	simm.s32 @p1 $0x1;
	p0 =	seq.s32 s7, s2  }
0x1e: {  	s7 =	smul.u32 @!p0 $0xF7A, s2;
	p2 =	seq.s32 @!p0 s5, $0x0  }
0x1f: {  	s9 =	smul.u32 $0xF7A, s1;
	s8 =	simm.s32 @!p0 $0x1BF5;
	p2 =	por !p2, p0  }
0x20: {  	[sflag:s8] =	ssyncset.s32 @!p0 $0xFFFFF086;
	s6 =	sadd.s32 @!p0 s3, s7;
	s7 =	simm.s32 @!p0 $0x108  }
0x21: {  	s3 =	sadd.s32 s3, s9;
	s6 =	sadd.s32 @!p0 $0x88, s6;
	s7 =	simm.s32 @p2 $0x1082  }
0x22: {  	[simem:s7], [sflag:s8] =	dma.local @!p0 [hbm:s6], $0xF7A  }
0x23: {  	s9 =	sor.u32 $0xD0000000, s2;
	s6 =	simm.s32 $0x108;
	_ =	swait.ge @!p0 [sflag:s8], $0x0  }
0x24: {  	s3 =	sadd.s32 $0x88, s3;
	s6 =	simm.s32 @!p1 $0x1082;
	[sflag:s4] =	ssyncset.s32 $0xFFFFF086  }
0x25: {  	[simem:s6], [sflag:s4] =	dma.local [hbm:s3], $0xF7A  }
0x26: {  	[smem:$0x3F9A] =	sst s1;
	(tag) =	ssettag s2;
	_ =	strace s9  }
0x27: {  	s1 =	sld [smem:$0x3FAA]  }
0x28: {  	s2 =	sld [smem:$0x3FAB]  }
0x29: {  	s4 =	sld [smem:$0x3FAD]  }
0x2a: {  	p0 =	seq.s32 s5, $0x0;
	s5 =	sld [smem:$0x3FAE]  }
0x2b: {  	s6 =	sld [smem:$0x3FAF]  }
0x2c: {  	s7 =	sld [smem:$0x3FB0]  }
0x2d: {  	s3 =	simm.s32 $0x108;
	s8 =	sld [smem:$0x3FB1]  }
0x2e: {  	s3 =	simm.s32 @!p0 $0x1082;
	s9 =	sld [smem:$0x3FB2]  }
0x2f: {  	lr =	sadd.s32 s0, s3;
	s0 =	sld [smem:$0x3FA9]  }
0x30: {  	s3 =	sld [smem:$0x3FAC]  }
0x31: {  	[smem:$0x3FB5] =	sst s10  }
0x32: {  	s10 =	sld [smem:$0x3FB3];
	_ =	sdelay $0x3  }
0x33: {  	p0 =	seq.s32 s10, $0x1;
	s10 =	sld [smem:$0x3FB5];
	_ =	sdelay $0x3  }
0x34: {  	[smem:$0x3FB5] =	sst s10  }
0x35: {  	s10 =	sld [smem:$0x3FB4];
	_ =	sdelay $0x3  }
0x36: {  	p1 =	seq.s32 s10, $0x1;
	s10 =	sld [smem:$0x3FB5];
	_ =	sdelay $0x3  }
0x37: {  	[smem:$0x3FB5] =	sst s10  }
0x38: {  	s10 =	sld [smem:$0x3FB6]  }
0x39: {  	_ = 	snop;
	(pc) =	sbr.ind lr, $3  }
0x3a: {  	_ = 	snop  }
0x3b: {  	_ = 	snop  }
0x3c: {  	p2 =	seq.s32 s10, $0x1;
	s10 =	sld [smem:$0x3FB5]  }
0x3d: {  	_ =	shalt  }
0x3e: {  	_ =	shalt  }
0x3f: {  	_ =	shalt  }
0x40: {  	_ =	shalt  }
0x41: {  	_ =	shalt  }
0x42: {  	_ =	shalt  }
0x43: {  	_ =	shalt  }
0x44: {  	_ =	shalt  }
0x45: {  	_ =	shalt  }
0x46: {  	_ =	shalt  }
0x47: {  	_ =	shalt  }
0x48: {  	_ =	shalt  }
0x49: {  	_ =	shalt  }
0x4a: {  	_ =	shalt  }
0x4b: {  	_ =	shalt  }
0x4c: {  	_ =	shalt  }
0x4d: {  	_ =	shalt  }
0x4e: {  	_ =	shalt  }
0x4f: {  	_ =	shalt  }
0x50: {  	_ =	shalt  }
0x51: {  	_ =	shalt  }
0x52: {  	_ =	shalt  }
0x53: {  	_ =	shalt  }
0x54: {  	_ =	shalt  }
0x55: {  	_ =	shalt  }
0x56: {  	_ =	shalt  }
0x57: {  	_ =	shalt  }
0x58: {  	_ =	shalt  }
0x59: {  	_ =	shalt  }
0x5a: {  	_ =	shalt  }
0x5b: {  	_ =	shalt  }
0x5c: {  	_ =	shalt  }
0x5d: {  	_ =	shalt  }
0x5e: {  	_ =	shalt  }
0x5f: {  	_ =	shalt  }
0x60: {  	_ =	shalt  }
0x61: {  	_ =	shalt  }
0x62: {  	_ =	shalt  }
0x63: {  	_ =	shalt  }
0x64: {  	_ =	shalt  }
0x65: {  	_ =	shalt  }
0x66: {  	_ =	shalt  }
0x67: {  	_ =	shalt  }
0x68: {  	_ =	shalt  }
0x69: {  	_ =	shalt  }
0x6a: {  	_ =	shalt  }
0x6b: {  	_ =	shalt  }
0x6c: {  	_ =	shalt  }
0x6d: {  	_ =	shalt  }
0x6e: {  	_ =	shalt  }
0x6f: {  	_ =	shalt  }
0x70: {  	_ =	shalt  }
0x71: {  	_ =	shalt  }
0x72: {  	_ =	shalt  }
0x73: {  	_ =	shalt  }
0x74: {  	_ =	shalt  }
0x75: {  	_ =	shalt  }
0x76: {  	_ =	shalt  }
0x77: {  	_ =	shalt  }
0x78: {  	_ =	shalt  }
0x79: {  	_ =	shalt  }
0x7a: {  	_ =	shalt  }
0x7b: {  	_ =	shalt  }
0x7c: {  	_ =	shalt  }
0x7d: {  	_ =	shalt  }
0x7e: {  	_ =	shalt  }
0x7f: {  	_ =	shalt  }
0x80: {  	_ =	shalt  }
0x81: {  	_ =	shalt  }
0x82: {  	_ =	shalt  }
0x83: {  	_ =	shalt  }
0x84: {  	_ =	shalt  }
0x85: {  	_ =	shalt  }
0x86: {  	_ =	shalt  }
0x87: {  	_ =	shalt  }
.Lfunc_end0:
.L_simem_size_0:
called_computation_lowered:
.L_overlay_start_0:
0x88: {  	s2 =	sld [smem:$0x3FD9]  }
0x89: {  	s3 =	sld [smem:$0x3FFE];
	_ =	sdelay $0x1  }
0x8a: {  	s1 =	srdreg.scid  }
0x8b: {  	s0 =	sand.u32 $0x1, s1  }
0x8c: {  	s17 =	sshll.u32 s0, $0xA;
	s2 =	sadd.s32 s3, s2  }
0x8d: {  	s2 =	sadd.s32 s2, s17  }
0x8e: {  	[smem:$0x3FC1] =	sst s2  }
0x8f: {  	_ = 	snop  }
0x90: {  	(tm) =	ssettm $0x1  }
0x91: {  	s18 =	sld [smem:$0x3FFB];
	_ =	sdelay $0x3  }
0x92: {  	_ =	strace s18  }
0x93: {  	s2 =	sld [smem:$0x3FFC];
	_ =	sdelay $0x3  }
0x94: {  	_ =	strace s2  }
0x95: {  	s2 =	sld [smem:$0x3FFD];
	_ =	sdelay $0x3  }
0x96: {  	_ =	strace s2  }
0x97: {  	_ =	strace $0x8FFFFFFF  }
0x98: {  	s19 =	sld [smem:$0x3FDB];
	_ =	sdelay $0x1  }
0x99: {  	s20 =	simm.s32 $_scs_section_size  }
0x9a: {  	s4 =	simm.s32 $_size__tile_overlayer_lowered;
	s5 =	simm.s32 $_tile_overlayer_lowered  }
0x9b: {  	s6 =	simm.s32 $0x1BFF;
	s21 =	sshll.u32 s5, $0x1;
	s3 =	sadd.s32 s20, s19  }
0x9c: {  	s22 =	simm.s32 $0x0;
	s4 =	sshll.u32 s4, $0x1;
	s5 =	sadd.s32 s21, s3  }
0x9d: {  	[timem:s22], [sflag:s6] =	dma.local [hbm:s5], s4  }
0x9e: {  	_ =	swait.ge [sflag:s6], s4  }
0x9f: {  	s4 =	ssub.s32 $0x0, s4;
	[sflag:s6] =	ssyncset.done $0x0  }
0xa0: {  	[sflag:s6] =	ssyncadd.s32 s4;
	_ =	sdelay $0x1  }
0xa1: {  	s23 =	simm.s32 $0x1B8B  }
0xa2: {  	_ =	swait.ge [sflag:s23], $0x1  }
0xa3: {  	[sflag:s23] =	ssyncset.done $0x0  }
0xa4: {  	[sflag:s23] =	ssyncadd.s32 $0xFFFFFFFF  }
0xa5: {  	s4 =	sld [smem:$0x0]  }
0xa6: {  	s5 =	sand.u32 $0xFFFFFFFE, s1  }
0xa7: {  	p0 =	sne.s32 s1, s5  }
0xa8: {  	s5 =	sshll.u32 @p0 s5, $0xE  }
0xa9: {  	s5 =	sadd.s32 @p0 $0x11B8D, s5;
	s6 =	sshll.u32 @p0 s4, $0x11  }
0xaa: {  	s5 =	sor.u32 @p0 s6, s5  }
0xab: {  	[sflag:s5] =	ssyncadd.remote.s32 @p0 $0x1;
	_ =	sdelay $0x1  }
0xac: {  	s5 =	simm.s32 @p0 $0x1B8D  }
0xad: {  	_ =	swait.eq @p0 [sflag:s5], $0x1  }
0xae: {  	[sflag:s5] =	ssyncadd.s32 @p0 $0xFFFFFFFF  }
0xaf: {  	s6 =	sshll.u32 @!p0 s1, $0xE  }
0xb0: {  	s6 =	sor.u32 @!p0 $0x4000, s6;
	s5 =	simm.s32 @!p0 $0x1B8D  }
0xb1: {  	s4 =	sshll.u32 @!p0 s4, $0x11;
	s6 =	sadd.s32 @!p0 $0x11B8D, s6;
	_ =	swait.eq @!p0 [sflag:s5], $0x1  }
0xb2: {  	s4 =	sor.u32 @!p0 s4, s6;
	[sflag:s5] =	ssyncadd.s32 @!p0 $0xFFFFFFFF  }
0xb3: {  	s25 =	simm.s32 $0x1B8E;
	s24 =	sld [smem:$0x3FFE];
	[sflag:s4] =	ssyncadd.remote.s32 @!p0 $0x1  }
0xb4: {  	s26 =	simm.s32 $execute0_lowered;
	[smem:$0x3FD2] =	sst s25  }
0xb5: {  	s5 =	sshll.u32 s26, $0x1;
	_ =	strace $0x80000049;
	[dreg:$0x1] =	wrdreg $0xFFFFFFFF  }
0xb6: {  	s28 =	simm.s32 $_size_execute0_lowered;
	s3 =	sadd.s32 s3, s5;
	[dreg:$0x0] =	wrdreg $0x0  }
0xb7: {  	s5 =	sshll.u32 s28, $0x1;
	[dreg:$0x2] =	wrdreg s3  }
0xb8: {  	[dreg:$0x3] =	wrdreg s5  }
0xb9: {  	[dreg:$0x4] =	wrdreg $0xC0  }
0xba: {  	_ =	task [dreg:s22], $0x5FFFF  }
0xbb: {  	[dreg:$0x1] =	wrdreg $0xFFFFFFFF  }
0xbc: {  	[dreg:$0x0] =	wrdreg $0x60  }
0xbd: {  	[dreg:$0x2] =	wrdreg s24  }
0xbe: {  	[dreg:$0x3] =	wrdreg $0x9  }
0xbf: {  	_ =	task.clear_ibuf [dreg:s22], $0x4FFFF;
	_ =	strace $0x90000049  }
0xc0: {  	s29 =	simm.s32 $0x9;
	_ =	strace $0x8000004B  }
0xc1: {  	_ =	swait.ge [sflag:s29], $0x1  }
0xc2: {  	[sflag:s29] =	ssyncadd.s32 $0xFFFFFFFF  }
0xc3: {  	_ =	strace $0x9000004B  }
0xc4: {  	_ =	sfence  }
0xc5: {  	s30 =	sld [smem:$0x0];
	_ =	sdelay $0x2  }
0xc6: {  	s31 =	sshll.u32 s1, $0xD;
	s1 =	sshrl.u32 s1, $0x2  }
0xc7: {  	s4 =	sand.u32 $0x4000, s31;
	s1 =	sadd.s32 s1, s30  }
0xc8: {  	s0 =	sor.u32 s4, s0;
	s1 =	sshll.u32 s1, $0x11  }
0xc9: {  	s0 =	sor.u32 s1, s0  }
0xca: {  	s0 =	sadd.s32 $0x8F2B, s0  }
0xcb: {  	[sflag:s0] =	ssyncadd.remote.s32 $0x1  }
0xcc: {  	_ =	sfence.sel $0xFFFF  }
0xcd: {  	[dreg:$0x0] =	wrdreg $0xFFFFFFFF;
	(pc) =	sbr.abs _section_cstart, $3  }
0xce: {  	[dreg:$0x1] =	wrdreg $0xFFFFFFFF  }
0xcf: {  	_ =	task.clear_ibuf [dreg:s22], $0x2FFFF;
	_ =	strace $0x9FFFFFFF  }
0xd0: {  	(tm) =	ssettm $0x7FFFFFFF  }
0xd1: {  	_ =	shalt  }
tec
execute0_lowered:
.L_overlay_start_1:
0x0: {  	(tag) =	ssettag $0x1  }
0x1: {  	s7 =	rddreg [dreg:$0x0]  }
0x2: {  	s0 =	rddreg [dreg:$0x1];
	_ =	strace $0x8000004A  }
0x3: {  	s1 =	srdreg.scid;
	s4 =	simm.s32 $0x1;
	s9 =	simm.s32 $0x3  }
0x4: {  	s12 =	simm.s32 $0x0;
	s10 =	simm.s32 $0x0;
	s5 =	sshll.u32 s1, $0x4  }
.Ltmp0:
0x5: {  	s1 =	stileid.u32;
	s5 =	sand.u32 $0x10, s5;
	(pc) =	sbr.rel .LBB2_1-.Ltmp0, $4  }
0x6: {  	s2 =	sadd.s32 $0x21C00, s7;
	s3 =	sadd.s32 $0x1800, s7;
	s6 =	sor.u32 s1, s5  }
0x7: {  	[sflag:s4] =	ssyncpa.u1 $0x0;
	s5 =	simm.s32 $0x2;
	s6 =	sshll.u32 s6, $0x8  }
0x8: {  	s7 =	sadd.s32 $0x41C00, s7;
	[sflag:s5] =	ssyncpa.u1 $0x0;
	s8 =	sadd.s32 $0x100, s6  }
0x9: {  	vm0 =	vmmov $0xff;
	vm1 =	vcmask $0x3F20;
	[sflag:s9] =	ssyncpa.u1 $0x0;
	s9 =	simm.s32 $0x100;
	s11 =	smov.u32 s6  }
.LBB2_9:
0xa: {  	p0 =	seq.s32 s10, $0x2  }
.Ltmp1:
0xb: {  	_ = 	snop;
	(pc) =	sbr.rel @p0 .LBB2_11-.Ltmp1, $1  }
0xc: {  	_ =	sdelay $0x3  }
.LBB2_10:
0xd: {  	s12 =	sadd.s32 $0x100, s11  }
0xe: {  	s13 =	smov.u32 s6;
	p0 =	slt.s32 s12, s8  }
0xf: {  	s13 =	smov.u32 @p0 s12  }
0x10: {  	s10 =	sadd.s32 $0x1, s10;
	s12 =	smov.u32 s11;
	s11 =	smov.u32 s13  }
.LBB2_1:
0x11: {  	p0 =	sne.s32 s10, $0x0  }
.Ltmp2:
0x12: {  	_ = 	snop;
	(pc) =	sbr.rel @!p0 .LBB2_2-.Ltmp2, $1  }
0x13: {  	_ =	sdelay $0x3  }
0x14: {  	s13 =	sand.u32 $0x1, s10  }
0x15: {  	p0 =	seq.s32 s13, $0x0  }
.Ltmp3:
0x16: {  	_ = 	snop;
	(pc) =	sbr.rel @p0 .LBB2_9-.Ltmp3, $1  }
0x17: {  	_ =	sdelay $0x3  }
0x18: {  	_ =	swait.ge [sflag:s5], $0x100  }
0x19: {  	[sflag:s5] =	ssyncset.done $0x0  }
0x1a: {  	s13 =	simm.s32 $0x0;
	[sflag:s5] =	ssyncadd.s32 $0xFFFFFF00  }
0x1b: {  	v0 =	vld.msk [tilespmem:s13+$0x100 ss:$0x1], $0xffff;
	_ =	sdelay $0x4  }
0x1c: {  	vm2 =	vgt.s32 v0, $0x0  }
0x1d: {  	v0 =	vnsel vm2, $0x0, v0  }
0x1e: {  	v0 =	vmin.u32 v0, $0x1FFF  }
0x1f: {  	v0 =	vshll.u32 v0, $0x4;
	_ =	sdelay $0x3  }
0x20: {  	s13 =	simm.s32 $0x8200  }
0x21: {  	[tilespmem:s13], [sflag:$0x1] =	stream.indirect_vreg.gather [hbm:s2], $0x80, v0, vm0, $0x38;
	[tilespmem:$0x10200] =	vst v63  }
0x22: {  	s14 =	simm.s32 $0x8600;
	s31 =	simm.s32 $0x10  }
0x23: {  	[tilespmem:s14], [sflag:$0x1] =	stream.indirect_vreg.gather [hbm:s2], $0x80, v0, vm1, $0x38;
	[tilespmem:$0x10200] =	vst v63  }
0x24: {  	s14 =	simm.s32 $0x80;
	v0 =	vld.msk [tilespmem:s31+$0x100 ss:$0x1], $0xffff  }
.LBB2_5:
0x25: {  	p0 =	sne.s32 s14, $0x3C0;
	_ =	sdelay $0x4  }
0x26: {  	vm2 =	vgt.s32 v0, $0x0  }
0x27: {  	v0 =	vnsel vm2, $0x0, v0  }
0x28: {  	v0 =	vmin.u32 v0, $0x1FFF  }
0x29: {  	v0 =	vshll.u32 v0, $0x4;
	_ =	sdelay $0x3  }
.Ltmp4:
0x2a: {  	s13 =	sadd.s32 $0x800, s13;
	(pc) =	sbr.rel @p0 .LBB2_5-.Ltmp4, $4  }
0x2b: {  	[tilespmem:s13], [sflag:$0x1] =	stream.indirect_vreg.gather [hbm:s2], $0x80, v0, vm0, $0x38;
	[tilespmem:$0x10200] =	vst v63  }
0x2c: {  	s15 =	sshra.s32 s14, $0x2;
	s16 =	sadd.s32 $0x400, s13  }
0x2d: {  	[tilespmem:s16], [sflag:$0x1] =	stream.indirect_vreg.gather [hbm:s2], $0x80, v0, vm1, $0x38;
	[tilespmem:$0x10200] =	vst v63  }
0x2e: {  	s14 =	sadd.s32 $0x40, s14;
	v0 =	vld.msk [tilespmem:s15+$0x100 ss:$0x1], $0xffff  }
0x2f: {  	_ =	sdelay $0x3  }
0x30: {  	vm2 =	vgt.s32 v0, $0x0  }
0x31: {  	v0 =	vnsel vm2, $0x0, v0  }
0x32: {  	v0 =	vmin.u32 v0, $0x1FFF  }
0x33: {  	v0 =	vshll.u32 v0, $0x4;
	_ =	sdelay $0x3  }
0x34: {  	s13 =	sadd.s32 $0x800, s13  }
0x35: {  	[tilespmem:s13], [sflag:$0x1] =	stream.indirect_vreg.gather [hbm:s2], $0x80, v0, vm0, $0x38;
	[tilespmem:$0x10200] =	vst v63  }
0x36: {  	s13 =	sadd.s32 $0x400, s13  }
0x37: {  	[tilespmem:s13], [sflag:$0x1] =	stream.indirect_vreg.gather [hbm:s2], $0x80, v0, vm1, $0x38;
	[tilespmem:$0x10200] =	vst v63  }
0x38: {  	s12 =	sshll.u32 s12, $0x4;
	s14 =	simm.s32 $0x80;
	_ =	swait.ge [sflag:s4], $0x8000  }
0x39: {  	s15 =	simm.s32 $0x8600;
	s12 =	sadd.s32 s12, s7;
	[sflag:s4] =	ssyncset.done $0x0  }
0x3a: {  	s16 =	sadd.s32 $0x0, s12;
	s13 =	simm.s32 $0x8200;
	[sflag:s4] =	ssyncadd.s32 $0xFFFF8000  }
.LBB2_7:
0x3b: {  	[hbm:s16] =	stream.linear.scatter [tilespmem:s13], [sflag:$0x3], $0x400, $0x38;
	[tilespmem:$0x10200] =	vst v63  }
0x3c: {  	s16 =	smov.u32 s14;
	s13 =	smov.u32 s15;
	p0 =	sne.s32 s14, $0xF80  }
.Ltmp5:
0x3d: {  	s14 =	sadd.s32 $0x80, s14;
	(pc) =	sbr.rel @p0 .LBB2_7-.Ltmp5, $2  }
0x3e: {  	_ =	sdelay $0x2  }
0x3f: {  	s15 =	sadd.s32 $0x400, s15;
	s16 =	sadd.s32 s16, s12  }
.Ltmp6:
0x40: {  	(pc) =	sbr.rel .LBB2_9-.Ltmp6, $2  }
0x41: {  	_ =	sdelay $0x2  }
0x42: {  	[hbm:s16] =	stream.linear.scatter [tilespmem:s13], [sflag:$0x3], $0x400, $0x38;
	[tilespmem:$0x10200] =	vst v63  }
.LBB2_2:
.Ltmp7:
0x43: {  	(pc) =	sbr.rel .LBB2_10-.Ltmp7, $4  }
0x44: {  	_ = 	snop  }
0x45: {  	s12 =	sshrl.u32 s11, $0x3  }
0x46: {  	s13 =	sand.u32 $0x7, s11;
	s12 =	sadd.s32 s3, s12  }
0x47: {  	[tilespmem:s9], [sflag:$0x2] =	stream.linear.gather [hbm4b:s12+s13], $0x100, $0x38;
	[tilespmem:$0x10200] =	vst v63  }
.LBB2_11:
0x48: {  	s2 =	simm.s32 $0x3  }
0x49: {  	_ =	swait.ge [sflag:s2], $0x8000  }
0x4a: {  	[sflag:s2] =	ssyncset.done $0x0  }
0x4b: {  	[sflag:s2] =	ssyncadd.s32 $0xFFFF8000  }
0x4c: {  	_ =	sfence.sel $0x180000  }
0x4d: {  	s3 =	simm.s32 $0x2;
	[bflag:$0x0] =	sbarrier.arrive $0xFFFF  }
0x4e: {  	[sflag:s3] =	ssyncpa.u1 $0x1  }
0x4f: {  	s31 =	simm.s32 $0x1;
	[sflag:s2] =	ssyncpa.u1 $0x1  }
0x50: {  	[sflag:s31] =	ssyncpa.u1 $0x1  }
0x51: {  	p0 =	sne.s32 s1, $0x0;
	_ =	strace $0x9000004A  }
0x52: {  	s0 =	sadd.s32 @!p0 $0x100000, s0;
	[bflag:$0x2] =	sbarrier.arrive $0xFFFF  }
0x53: {  	[sflag:s0] =	ssyncadd.tile.s32 @!p0 $0x1;
	_ =	shalt  }
.Lfunc_end2:
_tile_overlayer_lowered:
.L_overlay_start_2:
0x54: {  	(tag) =	ssettag $0x2  }
0x55: {  	s0 =	rddreg [dreg:$0x0];
	s2 =	stileid.u32  }
0x56: {  	s1 =	rddreg [dreg:$0x1];
	p0 =	sne.s32 s2, $0x0  }
0x57: {  	s3 =	rddreg [dreg:$0x2];
	[bflag:$0x3] =	sbarrier.arrive $0xFFFF;
	s2 =	simm.s32 @!p0 $0x1C01  }
0x58: {  	[timem:s3], [sflag:s2] =	dma.local @!p0 [hbm:s0], s1  }
0x59: {  	s0 =	simm.s32 @!p0 $0x1  }
0x5a: {  	_ =	swait.ge @!p0 [sflag:s0], s1  }
0x5b: {  	s1 =	ssub.s32 @!p0 $0x0, s1;
	[sflag:s0] =	ssyncset.done @!p0 $0x0  }
0x5c: {  	[sflag:s0] =	ssyncadd.s32 @!p0 s1  }
0x5d: {  	[bflag:$0x3] =	sbarrier.arrive $0xFFFF  }
0x5e: {  	_ =	shalt  }

</sc_bundles>
